<compile_context>
chip_gen: v7x
topology: tpu7x:2x2x1
jax: 0.10.2.dev20260603
libtpu: 0.0.44.dev20260713+nightly
codegen_flags: <defaults>
</compile_context>

<pallas_src>
import functools

import jax
import jax.numpy as jnp
from jax.experimental import pallas as pl
from jax.experimental.pallas import tpu as pltpu
from jax.experimental.pallas import tpu_sc as plsc

_EMBED = 1024
_HIDDEN = 512
_E = 64
_K = 8
_T = 2048
_BM = 256
_ROWS = _T * _K
_MAX_BLOCKS = _ROWS // _BM + _E
_NW = 32
_GCH = 64
_CHT = 8


def _sc_mesh():
    return plsc.VectorSubcoreMesh(core_axis_name="c", subcore_axis_name="s")


def _sc_gather_rows(table, idx, n_rows):
    per_w = n_rows // _NW
    nch = per_w // _GCH

    @functools.partial(
        pl.kernel,
        out_type=jax.ShapeDtypeStruct((n_rows, _EMBED), table.dtype),
        mesh=_sc_mesh(),
        scratch_types=[
            pltpu.VMEM((_GCH,), jnp.int32),
            pltpu.VMEM((_GCH, _EMBED), table.dtype),
            pltpu.SemaphoreType.DMA,
        ],
    )
    def k(tab_hbm, idx_hbm, out_hbm, idx_v, rows_v, sem):
        wid = jax.lax.axis_index("s") * 2 + jax.lax.axis_index("c")
        base = wid * per_w

        @pl.loop(0, nch)
        def _(c):
            b = base + c * _GCH
            pltpu.sync_copy(idx_hbm.at[pl.ds(b, _GCH)], idx_v)
            pltpu.async_copy(tab_hbm.at[idx_v], rows_v, sem).wait()
            pltpu.sync_copy(rows_v, out_hbm.at[pl.ds(b, _GCH)])

    return k(table, idx)


def _copy_kernel(x_ref, o_ref):
    o_ref[...] = x_ref[...]


def _tc_copy(xf):
    return pl.pallas_call(
        _copy_kernel,
        grid=(_T // _BM,),
        in_specs=[pl.BlockSpec((_BM, _EMBED), lambda i: (i, 0))],
        out_specs=pl.BlockSpec((_BM, _EMBED), lambda i: (i, 0)),
        out_shape=jax.ShapeDtypeStruct((_T, _EMBED), jnp.float32),
    )(xf)


def _sum8_kernel(x_ref, o_ref):
    o_ref[...] = x_ref[...].reshape(_BM, _K, _EMBED).sum(axis=1)


def _sum8(tm):
    return pl.pallas_call(
        _sum8_kernel,
        grid=(_T // _BM,),
        in_specs=[pl.BlockSpec((_BM * _K, _EMBED), lambda i: (i, 0))],
        out_specs=pl.BlockSpec((_BM, _EMBED), lambda i: (i, 0)),
        out_shape=jax.ShapeDtypeStruct((_T, _EMBED), jnp.float32),
    )(tm)


def _ffn_block_kernel(be_ref, xm_ref, vd_ref, x_ref, ge_ref, lin_ref, w_ref, out_ref):
    i = pl.program_id(0)

    @pl.when(vd_ref[i] == 1)
    def _():
        xb = x_ref[...].astype(jnp.bfloat16)
        g0 = ge_ref[0, 0].astype(jnp.bfloat16)
        g1 = ge_ref[0, 1].astype(jnp.bfloat16)
        x1 = jax.lax.dot_general(xb, g0, (((1,), (1,)), ((), ())),
                                 preferred_element_type=jnp.float32)
        x2 = jax.lax.dot_general(xb, g1, (((1,), (1,)), ((), ())),
                                 preferred_element_type=jnp.float32)
        act = (jax.nn.gelu(x1) * x2).astype(jnp.bfloat16)
        lin = lin_ref[0].astype(jnp.bfloat16)
        out = jax.lax.dot_general(act, lin, (((1,), (0,)), ((), ())),
                                  preferred_element_type=jnp.float32)
        out_ref[...] = out * jnp.transpose(w_ref[0])


def _grouped_ffn(sorted_x, gating_einsum, linear, wrow, block_expert, block_xmap, block_valid):
    grid_spec = pltpu.PrefetchScalarGridSpec(
        num_scalar_prefetch=3,
        grid=(_MAX_BLOCKS,),
        in_specs=[
            pl.BlockSpec((_BM, _EMBED), lambda i, be, xm, vd: (xm[i], 0)),
            pl.BlockSpec((1, 2, _HIDDEN, _EMBED), lambda i, be, xm, vd: (be[i], 0, 0, 0)),
            pl.BlockSpec((1, _HIDDEN, _EMBED), lambda i, be, xm, vd: (be[i], 0, 0)),
            pl.BlockSpec((1, 1, _BM), lambda i, be, xm, vd: (xm[i], 0, 0)),
        ],
        out_specs=pl.BlockSpec((_BM, _EMBED), lambda i, be, xm, vd: (xm[i], 0)),
    )
    return pl.pallas_call(
        _ffn_block_kernel,
        grid_spec=grid_spec,
        out_shape=jax.ShapeDtypeStruct((_MAX_BLOCKS * _BM, _EMBED), jnp.float32),
        compiler_params=pltpu.CompilerParams(
            dimension_semantics=("arbitrary",)),
    )(block_expert, block_xmap, block_valid, sorted_x, gating_einsum, linear, wrow)


def kernel(x, router_logits, gating_einsum, linear, per_expert_scale, router_scale):
    g, s, d = x.shape
    t = g * s
    xf = x.reshape(t, d)

    var = jnp.mean(jnp.square(xf), axis=-1, keepdims=True)
    ri = xf * jax.lax.rsqrt(var + 1e-06)
    ri = ri * jax.lax.rsqrt(jnp.float32(d)) * router_scale
    logits = ri @ router_logits
    probs = jax.nn.softmax(logits, axis=-1)
    _, choices = jax.lax.approx_max_k(logits, k=_K)
    pr8 = jnp.take_along_axis(probs, choices, axis=-1)
    renorm = pr8.sum(axis=-1, keepdims=True)
    renorm = jnp.where(renorm > 0.0, renorm, 1.0)
    cw = (pr8 / renorm) * per_expert_scale[choices]

    cf = choices.reshape(-1)
    ohi = jax.nn.one_hot(cf, _E, dtype=jnp.int32)
    counts = ohi.sum(axis=0)
    ranks = jnp.take_along_axis(jnp.cumsum(ohi, axis=0), cf[:, None], axis=1)[:, 0] - 1
    blocks = (counts + _BM - 1) // _BM
    cumblocks = jnp.cumsum(blocks)
    used = cumblocks[-1]
    padoff = (jnp.concatenate([jnp.zeros((1,), cumblocks.dtype), cumblocks[:-1]]) * _BM)
    pos = (padoff[cf] + ranks).astype(jnp.int32)
    tok = jnp.arange(_ROWS, dtype=jnp.int32) // _K
    pad_ids = jnp.arange(_MAX_BLOCKS * _BM, dtype=jnp.int32) % _T
    rowtok = pad_ids.at[pos].set(tok)
    wrow = jnp.zeros((_MAX_BLOCKS * _BM,), jnp.float32).at[pos].set(cw.reshape(-1))

    bidx = jnp.arange(_MAX_BLOCKS, dtype=jnp.int32)
    be = jnp.minimum(jnp.searchsorted(cumblocks, bidx, side="right"), _E - 1).astype(jnp.int32)
    valid = (bidx < used)
    last = (used - 1).astype(jnp.int32)
    be = jnp.where(valid, be, be[last])
    xm = jnp.where(valid, bidx, last)
    vd = valid.astype(jnp.int32)

    sorted_x = _sc_gather_rows(_tc_copy(xf), rowtok, _MAX_BLOCKS * _BM)
    eo = _grouped_ffn(sorted_x, gating_einsum, linear,
                      wrow.reshape(_MAX_BLOCKS, 1, _BM), be, xm, vd)
    tm = _sc_gather_rows(eo, pos, _ROWS)
    out = _sum8(tm)
    return out.reshape(g, s, d)

# --- scband reference (transcript-rebuilt; emitter-appended) ---
"""Pipeline reference for scband-mo-eragged-68796786147589 (READ-ONLY COPY).

The authoritative reference and input builder live on the scoring server;
editing this copy changes nothing except your own understanding.
"""

import jax, jax.numpy as jnp
import numpy as np

EMBED = 1024
HIDDEN = 512
NUM_EXPERTS = 64
TOP_K = 8
NUM_GROUPS = 1
GROUP_SIZE = 2048


def _renormalization_factor(router_probs, choices):
    indicator = jax.nn.one_hot(choices, router_probs.shape[-1], dtype=router_probs.dtype).sum(axis=-2)
    gate_weights = indicator * router_probs
    renorm = jnp.sum(gate_weights, axis=-1, keepdims=True)
    return jnp.where(renorm > 0.0, renorm, 1.0)


def _grouped_matmul(lhs, rhs, group_sizes):
    num_groups = rhs.shape[0]
    total_rows = lhs.shape[0]
    row_groups = jnp.repeat(jnp.arange(num_groups), group_sizes, total_repeat_length=total_rows)

    def body(e, acc):
        mask = (row_groups == e).astype(lhs.dtype)
        return acc + (lhs * mask[:, None]) @ rhs[e]

    init = jnp.zeros((total_rows, rhs.shape[-1]), dtype=lhs.dtype)
    return jax.lax.fori_loop(0, num_groups, body, init)


def setup_inputs(seed: int = 0) -> dict:
    key = jax.random.key(seed)
    ks = jax.random.split(key, 6)
    x = jax.random.normal(ks[0], (NUM_GROUPS, GROUP_SIZE, EMBED), dtype=jnp.float32)
    router_logits = jax.random.normal(ks[1], (EMBED, NUM_EXPERTS), dtype=jnp.float32) * 0.02
    gating_einsum = jax.random.normal(ks[2], (NUM_EXPERTS, 2, HIDDEN, EMBED), dtype=jnp.float32) * 0.02
    linear = jax.random.normal(ks[3], (NUM_EXPERTS, HIDDEN, EMBED), dtype=jnp.float32) * 0.02
    per_expert_scale = jnp.ones((NUM_EXPERTS,), dtype=jnp.float32)
    router_scale = jnp.ones((EMBED,), dtype=jnp.float32)
    return {
        'x': x,
        'router_logits': router_logits,
        'gating_einsum': gating_einsum,
        'linear': linear,
        'per_expert_scale': per_expert_scale,
        'router_scale': router_scale,
    }


def reference(x, router_logits, gating_einsum, linear, per_expert_scale, router_scale):
    # --- RMS-normalized router input ---
    var = jnp.mean(jnp.square(x.astype(jnp.float32)), axis=-1, keepdims=True)
    router_input = x * jax.lax.rsqrt(var + 1e-06).astype(x.dtype)
    root_size = jax.lax.rsqrt(jnp.array(EMBED, dtype=router_input.dtype))
    router_input = router_input * root_size * router_scale.astype(router_input.dtype)
    logits = jnp.einsum('gsd,de->gse', router_input, router_logits.astype(router_input.dtype))

    # --- Router (approx top-k + renormalized softmax weights) ---
    rl = logits.astype(jnp.float32)
    router_probs = jax.nn.softmax(rl, axis=-1)
    _, choices = jax.lax.approx_max_k(rl, k=TOP_K)
    weights = router_probs / _renormalization_factor(router_probs, choices)

    # --- Expert dispatch: sort tokens by expert choice ---
    num_groups, group_size, k = choices.shape
    xf = x.reshape((-1, x.shape[-1]))
    batch_size = num_groups * group_size
    num_experts = weights.shape[2]
    expert_choices_flat = choices.ravel()
    xs_order = expert_choices_flat.argsort()
    xs_reverse_argsort = xs_order.argsort()
    xs_indices = jnp.repeat(jnp.arange(batch_size), k)[xs_order]
    sorted_xs = xf[xs_indices, :]
    expert_choices_oh = jax.nn.one_hot(choices, num_classes=num_experts, dtype=jnp.int32)
    xs_tokens_per_expert = jnp.sum(expert_choices_oh, axis=(0, 1, 2))
    xs_combine_weights = (expert_choices_oh[:, :, :, :num_experts].astype(jnp.float32) * jnp.expand_dims(weights, axis=2)).sum(axis=-1).astype(weights.dtype)

    # --- Expert FFW via grouped matmul ---
    w_gate = jnp.transpose(gating_einsum, (0, 3, 1, 2)).reshape(NUM_EXPERTS, EMBED, 2 * HIDDEN)
    gate_out = _grouped_matmul(sorted_xs, w_gate.astype(jnp.float32), group_sizes=xs_tokens_per_expert)
    gate_out = gate_out.reshape(gate_out.shape[0], 2, HIDDEN)
    x1 = gate_out[:, 0, :]
    x2 = gate_out[:, 1, :]
    activation = jax.nn.gelu(x1) * x2
    expert_outputs = _grouped_matmul(activation, linear.astype(jnp.float32), group_sizes=xs_tokens_per_expert)
    expert_indices = jnp.repeat(jnp.arange(NUM_EXPERTS), xs_tokens_per_expert, total_repeat_length=expert_outputs.shape[0])
    per_expert = per_expert_scale.astype(expert_outputs.dtype)
    expert_outputs = expert_outputs * per_expert[expert_indices, None]

    # --- Collect back to original token order and combine ---
    collected = expert_outputs[xs_reverse_argsort].reshape((num_groups, group_size, k, -1))
    out = jnp.einsum('blkd,blk->bld', collected, xs_combine_weights, preferred_element_type=collected.dtype)
    return out

if __name__ == "__main__":
    import jax
    _d = setup_inputs()
    print(jax.jit(kernel)(*tuple(_d.values())))

</pallas_src>

<mosaic_0001>
#map = affine_map<(d0, d1) -> (0, 0)>
#map1 = affine_map<(d0, d1) -> (0)>
module attributes {stable_mosaic.version = 14 : i64} {
  func.func @k(%arg0: i32, %arg1: i32, %arg2: memref<32768x1024xf32, #tpu.memory_space<hbm>>, %arg3: memref<16384xi32, #tpu.memory_space<hbm>>, %arg4: memref<16384x1024xf32, #tpu.memory_space<hbm>>, %arg5: memref<64xi32, #tpu.memory_space<vmem>>, %arg6: memref<64x1024xf32, #tpu.memory_space<vmem>>, %arg7: memref<!tpu.dma_semaphore, #tpu.memory_space<semaphore_mem>>) attributes {dimension_semantics = [#tpu.dimension_semantics<core_parallel>, #tpu.dimension_semantics<subcore_parallel>], iteration_bounds = array<i64: 2, 16>, scalar_prefetch = 0 : i64, scratch_operands = 3 : i64, tpu.core_type = #tpu.core_type<sc_vector_subcore>, window_params = [{transform_indices = #map}, {transform_indices = #map1}, {transform_indices = #map}]} {
    %mul3A = arith.constant 2 : i32
    %mul3A_0 = arith.muli %arg1, %mul3A : i32
    %add3A = arith.addi %mul3A_0, %arg0 : i32
    %mul3A_1 = arith.constant 512 : i32
    %mul3A_2 = arith.muli %add3A, %mul3A_1 : i32
    %scan3A = arith.constant 0 : i32
    %scan3A_3 = arith.constant 8 : i32
    %scan3A_4 = arith.addi %scan3A, %scan3A_3 : i32
    %scan3A_5 = arith.constant 1 : i32
    scf.for %scan3A_7 = %scan3A to %scan3A_4 step %scan3A_5  : i32 {
      %mul3A_8 = arith.constant 1 : i32
      %mul3A_9 = arith.muli %scan3A_7, %mul3A_8 : i32
      %add3A_10 = arith.constant 0 : i32
      %add3A_11 = arith.addi %add3A_10, %mul3A_9 : i32
      %mul3A_12 = arith.constant 64 : i32
      %mul3A_13 = arith.muli %add3A_11, %mul3A_12 : i32
      %add3A_14 = arith.addi %mul3A_2, %mul3A_13 : i32
      "tpu.region"() ({
        %run_scoped3A = tpu.sem_alloc : memref<!tpu.dma_semaphore, #tpu.memory_space<semaphore_mem>>
        %dma_start3A_19 = tpu.memref_slice %arg3[%add3A_14] : memref<16384xi32, #tpu.memory_space<hbm>> -> memref<64xi32, #tpu.memory_space<hbm>>
        %dma_start3A_20 = tpu.memref_slice %arg3[%add3A_14] : memref<16384xi32, #tpu.memory_space<hbm>> -> memref<64xi32, #tpu.memory_space<hbm>>
        tpu.enqueue_dma source(%dma_start3A_20 : memref<64xi32, #tpu.memory_space<hbm>>) target(%arg5 : memref<64xi32, #tpu.memory_space<vmem>>) target_semaphore(%run_scoped3A : memref<!tpu.dma_semaphore, #tpu.memory_space<semaphore_mem>>)
        %dma_wait3A_21 = tpu.memref_slice %arg3[%add3A_14] : memref<16384xi32, #tpu.memory_space<hbm>> -> memref<64xi32, #tpu.memory_space<hbm>>
        %dma_wait3A_22 = tpu.memref_slice %arg3[%add3A_14] : memref<16384xi32, #tpu.memory_space<hbm>> -> memref<64xi32, #tpu.memory_space<hbm>>
        tpu.wait_dma2 semaphore(%run_scoped3A : memref<!tpu.dma_semaphore, #tpu.memory_space<semaphore_mem>>) src(%dma_wait3A_22 : memref<64xi32, #tpu.memory_space<hbm>>) dst(%arg5 : memref<64xi32, #tpu.memory_space<vmem>>)
        tpu.yield
      }) : () -> ()
      %dma_start3A = arith.constant 0 : i32
      %dma_start3A_15 = arith.constant 0 : i32
      %dma_start3A_16 = tpu.memref_slice %arg2[%dma_start3A, %dma_start3A_15] : memref<32768x1024xf32, #tpu.memory_space<hbm>> -> memref<32768x1024xf32, #tpu.memory_space<hbm>>
      tpu.enqueue_indirect_dma source(%dma_start3A_16 : memref<32768x1024xf32, #tpu.memory_space<hbm>>) target(%arg6 : memref<64x1024xf32, #tpu.memory_space<vmem>>) offsets(%arg5 : memref<64xi32, #tpu.memory_space<vmem>>) semaphore(%arg7 : memref<!tpu.dma_semaphore, #tpu.memory_space<semaphore_mem>>)
      %dma_wait3A = arith.constant 0 : i32
      %dma_wait3A_17 = arith.constant 0 : i32
      %dma_wait3A_18 = tpu.memref_slice %arg2[%dma_wait3A, %dma_wait3A_17] : memref<32768x1024xf32, #tpu.memory_space<hbm>> -> memref<32768x1024xf32, #tpu.memory_space<hbm>>
      tpu.wait_indirect_dma semaphore(%arg7 : memref<!tpu.dma_semaphore, #tpu.memory_space<semaphore_mem>>) src(%dma_wait3A_18 : memref<32768x1024xf32, #tpu.memory_space<hbm>>) dst(%arg6 : memref<64x1024xf32, #tpu.memory_space<vmem>>)
      "tpu.region"() ({
        %run_scoped3A = tpu.sem_alloc : memref<!tpu.dma_semaphore, #tpu.memory_space<semaphore_mem>>
        %dma_start3A_19 = arith.constant 0 : i32
        %dma_start3A_20 = tpu.memref_slice %arg4[%add3A_14, %dma_start3A_19] : memref<16384x1024xf32, #tpu.memory_space<hbm>> -> memref<64x1024xf32, #tpu.memory_space<hbm>>
        %dma_start3A_21 = arith.constant 0 : i32
        %dma_start3A_22 = tpu.memref_slice %arg4[%add3A_14, %dma_start3A_21] : memref<16384x1024xf32, #tpu.memory_space<hbm>> -> memref<64x1024xf32, #tpu.memory_space<hbm>>
        tpu.enqueue_dma source(%arg6 : memref<64x1024xf32, #tpu.memory_space<vmem>>) target(%dma_start3A_22 : memref<64x1024xf32, #tpu.memory_space<hbm>>) target_semaphore(%run_scoped3A : memref<!tpu.dma_semaphore, #tpu.memory_space<semaphore_mem>>)
        %dma_wait3A_23 = arith.constant 0 : i32
        %dma_wait3A_24 = tpu.memref_slice %arg4[%add3A_14, %dma_wait3A_23] : memref<16384x1024xf32, #tpu.memory_space<hbm>> -> memref<64x1024xf32, #tpu.memory_space<hbm>>
        %dma_wait3A_25 = arith.constant 0 : i32
        %dma_wait3A_26 = tpu.memref_slice %arg4[%add3A_14, %dma_wait3A_25] : memref<16384x1024xf32, #tpu.memory_space<hbm>> -> memref<64x1024xf32, #tpu.memory_space<hbm>>
        tpu.wait_dma2 semaphore(%run_scoped3A : memref<!tpu.dma_semaphore, #tpu.memory_space<semaphore_mem>>) src(%arg6 : memref<64x1024xf32, #tpu.memory_space<vmem>>) dst(%dma_wait3A_26 : memref<64x1024xf32, #tpu.memory_space<hbm>>)
        tpu.yield
      }) : () -> ()
    }
    %scan3A_6 = arith.constant 8 : i32
    return
  }
}

#map = affine_map<(d0, d1) -> (0, 0)>
#map1 = affine_map<(d0, d1) -> (0)>
module attributes {stable_mosaic.version = 14 : i64} {
  func.func @k(%arg0: i32, %arg1: i32, %arg2: memref<2048x1024xf32, #tpu.memory_space<hbm>>, %arg3: memref<32768xi32, #tpu.memory_space<hbm>>, %arg4: memref<32768x1024xf32, #tpu.memory_space<hbm>>, %arg5: memref<64xi32, #tpu.memory_space<vmem>>, %arg6: memref<64x1024xf32, #tpu.memory_space<vmem>>, %arg7: memref<!tpu.dma_semaphore, #tpu.memory_space<semaphore_mem>>) attributes {dimension_semantics = [#tpu.dimension_semantics<core_parallel>, #tpu.dimension_semantics<subcore_parallel>], iteration_bounds = array<i64: 2, 16>, scalar_prefetch = 0 : i64, scratch_operands = 3 : i64, tpu.core_type = #tpu.core_type<sc_vector_subcore>, window_params = [{transform_indices = #map}, {transform_indices = #map1}, {transform_indices = #map}]} {
    %mul3A = arith.constant 2 : i32
    %mul3A_0 = arith.muli %arg1, %mul3A : i32
    %add3A = arith.addi %mul3A_0, %arg0 : i32
    %mul3A_1 = arith.constant 1024 : i32
    %mul3A_2 = arith.muli %add3A, %mul3A_1 : i32
    %scan3A = arith.constant 0 : i32
    %scan3A_3 = arith.constant 16 : i32
    %scan3A_4 = arith.addi %scan3A, %scan3A_3 : i32
    %scan3A_5 = arith.constant 1 : i32
    scf.for %scan3A_7 = %scan3A to %scan3A_4 step %scan3A_5  : i32 {
      %mul3A_8 = arith.constant 1 : i32
      %mul3A_9 = arith.muli %scan3A_7, %mul3A_8 : i32
      %add3A_10 = arith.constant 0 : i32
      %add3A_11 = arith.addi %add3A_10, %mul3A_9 : i32
      %mul3A_12 = arith.constant 64 : i32
      %mul3A_13 = arith.muli %add3A_11, %mul3A_12 : i32
      %add3A_14 = arith.addi %mul3A_2, %mul3A_13 : i32
      "tpu.region"() ({
        %run_scoped3A = tpu.sem_alloc : memref<!tpu.dma_semaphore, #tpu.memory_space<semaphore_mem>>
        %dma_start3A_19 = tpu.memref_slice %arg3[%add3A_14] : memref<32768xi32, #tpu.memory_space<hbm>> -> memref<64xi32, #tpu.memory_space<hbm>>
        %dma_start3A_20 = tpu.memref_slice %arg3[%add3A_14] : memref<32768xi32, #tpu.memory_space<hbm>> -> memref<64xi32, #tpu.memory_space<hbm>>
        tpu.enqueue_dma source(%dma_start3A_20 : memref<64xi32, #tpu.memory_space<hbm>>) target(%arg5 : memref<64xi32, #tpu.memory_space<vmem>>) target_semaphore(%run_scoped3A : memref<!tpu.dma_semaphore, #tpu.memory_space<semaphore_mem>>)
        %dma_wait3A_21 = tpu.memref_slice %arg3[%add3A_14] : memref<32768xi32, #tpu.memory_space<hbm>> -> memref<64xi32, #tpu.memory_space<hbm>>
        %dma_wait3A_22 = tpu.memref_slice %arg3[%add3A_14] : memref<32768xi32, #tpu.memory_space<hbm>> -> memref<64xi32, #tpu.memory_space<hbm>>
        tpu.wait_dma2 semaphore(%run_scoped3A : memref<!tpu.dma_semaphore, #tpu.memory_space<semaphore_mem>>) src(%dma_wait3A_22 : memref<64xi32, #tpu.memory_space<hbm>>) dst(%arg5 : memref<64xi32, #tpu.memory_space<vmem>>)
        tpu.yield
      }) : () -> ()
      %dma_start3A = arith.constant 0 : i32
      %dma_start3A_15 = arith.constant 0 : i32
      %dma_start3A_16 = tpu.memref_slice %arg2[%dma_start3A, %dma_start3A_15] : memref<2048x1024xf32, #tpu.memory_space<hbm>> -> memref<2048x1024xf32, #tpu.memory_space<hbm>>
      tpu.enqueue_indirect_dma source(%dma_start3A_16 : memref<2048x1024xf32, #tpu.memory_space<hbm>>) target(%arg6 : memref<64x1024xf32, #tpu.memory_space<vmem>>) offsets(%arg5 : memref<64xi32, #tpu.memory_space<vmem>>) semaphore(%arg7 : memref<!tpu.dma_semaphore, #tpu.memory_space<semaphore_mem>>)
      %dma_wait3A = arith.constant 0 : i32
      %dma_wait3A_17 = arith.constant 0 : i32
      %dma_wait3A_18 = tpu.memref_slice %arg2[%dma_wait3A, %dma_wait3A_17] : memref<2048x1024xf32, #tpu.memory_space<hbm>> -> memref<2048x1024xf32, #tpu.memory_space<hbm>>
      tpu.wait_indirect_dma semaphore(%arg7 : memref<!tpu.dma_semaphore, #tpu.memory_space<semaphore_mem>>) src(%dma_wait3A_18 : memref<2048x1024xf32, #tpu.memory_space<hbm>>) dst(%arg6 : memref<64x1024xf32, #tpu.memory_space<vmem>>)
      "tpu.region"() ({
        %run_scoped3A = tpu.sem_alloc : memref<!tpu.dma_semaphore, #tpu.memory_space<semaphore_mem>>
        %dma_start3A_19 = arith.constant 0 : i32
        %dma_start3A_20 = tpu.memref_slice %arg4[%add3A_14, %dma_start3A_19] : memref<32768x1024xf32, #tpu.memory_space<hbm>> -> memref<64x1024xf32, #tpu.memory_space<hbm>>
        %dma_start3A_21 = arith.constant 0 : i32
        %dma_start3A_22 = tpu.memref_slice %arg4[%add3A_14, %dma_start3A_21] : memref<32768x1024xf32, #tpu.memory_space<hbm>> -> memref<64x1024xf32, #tpu.memory_space<hbm>>
        tpu.enqueue_dma source(%arg6 : memref<64x1024xf32, #tpu.memory_space<vmem>>) target(%dma_start3A_22 : memref<64x1024xf32, #tpu.memory_space<hbm>>) target_semaphore(%run_scoped3A : memref<!tpu.dma_semaphore, #tpu.memory_space<semaphore_mem>>)
        %dma_wait3A_23 = arith.constant 0 : i32
        %dma_wait3A_24 = tpu.memref_slice %arg4[%add3A_14, %dma_wait3A_23] : memref<32768x1024xf32, #tpu.memory_space<hbm>> -> memref<64x1024xf32, #tpu.memory_space<hbm>>
        %dma_wait3A_25 = arith.constant 0 : i32
        %dma_wait3A_26 = tpu.memref_slice %arg4[%add3A_14, %dma_wait3A_25] : memref<32768x1024xf32, #tpu.memory_space<hbm>> -> memref<64x1024xf32, #tpu.memory_space<hbm>>
        tpu.wait_dma2 semaphore(%run_scoped3A : memref<!tpu.dma_semaphore, #tpu.memory_space<semaphore_mem>>) src(%arg6 : memref<64x1024xf32, #tpu.memory_space<vmem>>) dst(%dma_wait3A_26 : memref<64x1024xf32, #tpu.memory_space<hbm>>)
        tpu.yield
      }) : () -> ()
    }
    %scan3A_6 = arith.constant 16 : i32
    return
  }
}

module attributes {stable_mosaic.version = 14 : i64} {
  func.func @_copy_kernel(%arg0: i32, %arg1: memref<256x1024xf32, #tpu.memory_space<vmem>>, %arg2: memref<256x1024xf32, #tpu.memory_space<vmem>>) attributes {dimension_semantics = [#tpu.dimension_semantics<arbitrary>], iteration_bounds = array<i64: 8>, scalar_prefetch = 0 : i64, scratch_operands = 0 : i64, tpu.core_type = #tpu.core_type<tc>, window_params = [{transform_indices = @transform_0, window_bounds = array<i64: 256, 1024>}, {transform_indices = @transform_1, window_bounds = array<i64: 256, 1024>}]} {
    %get3A = arith.constant 0 : index
    %get3A_0 = arith.constant 0 : index
    %get3A_1 = vector.load %arg1[%get3A, %get3A_0] : memref<256x1024xf32, #tpu.memory_space<vmem>>, vector<256x1024xf32>
    %swap3A = arith.constant 0 : index
    %swap3A_2 = arith.constant 0 : index
    %swap3A_3 = vector.load %arg2[%swap3A, %swap3A_2] : memref<256x1024xf32, #tpu.memory_space<vmem>>, vector<256x1024xf32>
    tpu.vector_store %arg2[%swap3A, %swap3A_2], %get3A_1 {strides = array<i32>} : memref<256x1024xf32, #tpu.memory_space<vmem>>, vector<256x1024xf32>,
    return
  }
  func.func @transform_0(%arg0: i32) -> (i32, i32) {
    %c0_i32 = arith.constant 0 : i32
    %c0_i32_0 = arith.constant 0 : i32
    return %arg0, %c0_i32 : i32, i32
  }
  func.func @transform_1(%arg0: i32) -> (i32, i32) {
    %c0_i32 = arith.constant 0 : i32
    %c0_i32_0 = arith.constant 0 : i32
    return %arg0, %c0_i32 : i32, i32
  }
}

module attributes {stable_mosaic.version = 14 : i64} {
  func.func @_ffn_block_kernel(%arg0: i32, %arg1: memref<128xi32, #tpu.memory_space<smem>>, %arg2: memref<128xi32, #tpu.memory_space<smem>>, %arg3: memref<128xi32, #tpu.memory_space<smem>>, %arg4: memref<256x1024xf32, #tpu.memory_space<vmem>>, %arg5: memref<1x2x512x1024xf32, #tpu.memory_space<vmem>>, %arg6: memref<1x512x1024xf32, #tpu.memory_space<vmem>>, %arg7: memref<1x1x256xf32, #tpu.memory_space<vmem>>, %arg8: memref<256x1024xf32, #tpu.memory_space<vmem>>) attributes {dimension_semantics = [#tpu.dimension_semantics<arbitrary>], iteration_bounds = array<i64: 128>, scalar_prefetch = 3 : i64, scratch_operands = 0 : i64, tpu.core_type = #tpu.core_type<tc>, window_params = [{transform_indices = @transform_0, window_bounds = array<i64: 256, 1024>}, {transform_indices = @transform_1, window_bounds = array<i64: 1, 2, 512, 1024>}, {transform_indices = @transform_2, window_bounds = array<i64: 1, 512, 1024>}, {transform_indices = @transform_3, window_bounds = array<i64: 1, 1, 256>}, {transform_indices = @transform_4, window_bounds = array<i64: 256, 1024>}]} {
    %get3A = arith.index_cast %arg0 : i32 to index
    %get3A_0 = memref.load %arg3[%get3A] : memref<128xi32, #tpu.memory_space<smem>>
    %eq3A = arith.constant 1 : i32
    %eq3A_1 = arith.cmpi eq, %get3A_0, %eq3A : i32
    %convert_element_type3A = arith.extui %eq3A_1 : i1 to i32
    %cond3A = arith.constant 0 : i32
    %cond3A_2 = arith.cmpi ne, %convert_element_type3A, %cond3A : i32
    scf.if %cond3A_2 {
      %get3A_3 = arith.constant 0 : index
      %get3A_4 = arith.constant 0 : index
      %get3A_5 = vector.load %arg4[%get3A_3, %get3A_4] : memref<256x1024xf32, #tpu.memory_space<vmem>>, vector<256x1024xf32>
      %convert_element_type3A_6 = arith.truncf %get3A_5 : vector<256x1024xf32> to vector<256x1024xbf16>
      %get3A_7 = arith.constant 0 : index
      %get3A_8 = arith.constant 0 : index
      %get3A_9 = arith.constant 0 : index
      %get3A_10 = arith.constant 0 : index
      %get3A_11 = vector.load %arg5[%get3A_7, %get3A_8, %get3A_9, %get3A_10] : memref<1x2x512x1024xf32, #tpu.memory_space<vmem>>, vector<1x1x512x1024xf32>
      %get3A_12 = vector.shape_cast %get3A_11 : vector<1x1x512x1024xf32> to vector<512x1024xf32>
      %convert_element_type3A_13 = arith.truncf %get3A_12 : vector<512x1024xf32> to vector<512x1024xbf16>
      %get3A_14 = arith.constant 0 : index
      %get3A_15 = arith.constant 1 : index
      %get3A_16 = arith.constant 0 : index
      %get3A_17 = arith.constant 0 : index
      %get3A_18 = vector.load %arg5[%get3A_14, %get3A_15, %get3A_16, %get3A_17] : memref<1x2x512x1024xf32, #tpu.memory_space<vmem>>, vector<1x1x512x1024xf32>
      %get3A_19 = vector.shape_cast %get3A_18 : vector<1x1x512x1024xf32> to vector<512x1024xf32>
      %convert_element_type3A_20 = arith.truncf %get3A_19 : vector<512x1024xf32> to vector<512x1024xbf16>
      %dot_general3A = arith.constant dense<0.000000e+00> : vector<256x512xf32>
      %dot_general3A_21 = tpu.matmul %convert_element_type3A_6, %convert_element_type3A_13, %dot_general3A {dimension_numbers = #tpu.dot_dimension_numbers<[1], [1], [0], [0], [0, 0, 1, 0], [], []>, transpose_lhs_hint = false} : vector<256x1024xbf16>, vector<512x1024xbf16>, vector<256x512xf32> -> vector<256x512xf32>
      %dot_general3A_22 = arith.constant dense<0.000000e+00> : vector<256x512xf32>
      %dot_general3A_23 = tpu.matmul %convert_element_type3A_6, %convert_element_type3A_20, %dot_general3A_22 {dimension_numbers = #tpu.dot_dimension_numbers<[1], [1], [0], [0], [0, 0, 1, 0], [], []>, transpose_lhs_hint = false} : vector<256x1024xbf16>, vector<512x1024xbf16>, vector<256x512xf32> -> vector<256x512xf32>
      %integer_pow3A = arith.mulf %dot_general3A_21, %dot_general3A_21 : vector<256x512xf32>
      %integer_pow3A_24 = arith.mulf %dot_general3A_21, %integer_pow3A : vector<256x512xf32>
      %mul3A = arith.constant 4.471500e-02 : f32
      %mul3A_25 = vector.broadcast %mul3A : f32 to vector<256x512xf32>
      %mul3A_26 = arith.mulf %mul3A_25, %integer_pow3A_24 : vector<256x512xf32>
      %add3A = arith.addf %dot_general3A_21, %mul3A_26 : vector<256x512xf32>
      %mul3A_27 = arith.constant 0.797884583 : f32
      %mul3A_28 = vector.broadcast %mul3A_27 : f32 to vector<256x512xf32>
      %mul3A_29 = arith.mulf %mul3A_28, %add3A : vector<256x512xf32>
      %tanh3A = math.tanh %mul3A_29 : vector<256x512xf32>
      %add3A_30 = arith.constant 1.000000e+00 : f32
      %add3A_31 = vector.broadcast %add3A_30 : f32 to vector<256x512xf32>
      %add3A_32 = arith.addf %add3A_31, %tanh3A : vector<256x512xf32>
      %mul3A_33 = arith.constant 5.000000e-01 : f32
      %mul3A_34 = vector.broadcast %mul3A_33 : f32 to vector<256x512xf32>
      %mul3A_35 = arith.mulf %mul3A_34, %add3A_32 : vector<256x512xf32>
      %mul3A_36 = arith.mulf %dot_general3A_21, %mul3A_35 : vector<256x512xf32>
      %mul3A_37 = arith.mulf %mul3A_36, %dot_general3A_23 : vector<256x512xf32>
      %convert_element_type3A_38 = arith.truncf %mul3A_37 : vector<256x512xf32> to vector<256x512xbf16>
      %get3A_39 = arith.constant 0 : index
      %get3A_40 = arith.constant 0 : index
      %get3A_41 = arith.constant 0 : index
      %get3A_42 = vector.load %arg6[%get3A_39, %get3A_40, %get3A_41] : memref<1x512x1024xf32, #tpu.memory_space<vmem>>, vector<1x512x1024xf32>
      %get3A_43 = vector.shape_cast %get3A_42 : vector<1x512x1024xf32> to vector<512x1024xf32>
      %convert_element_type3A_44 = arith.truncf %get3A_43 : vector<512x1024xf32> to vector<512x1024xbf16>
      %dot_general3A_45 = arith.constant dense<0.000000e+00> : vector<256x1024xf32>
      %dot_general3A_46 = tpu.matmul %convert_element_type3A_38, %convert_element_type3A_44, %dot_general3A_45 {dimension_numbers = #tpu.dot_dimension_numbers<[1], [0], [0], [1], [0, 0, 1, 1], [], []>, transpose_lhs_hint = false} : vector<256x512xbf16>, vector<512x1024xbf16>, vector<256x1024xf32> -> vector<256x1024xf32>
      %get3A_47 = arith.constant 0 : index
      %get3A_48 = arith.constant 0 : index
      %get3A_49 = arith.constant 0 : index
      %get3A_50 = vector.load %arg7[%get3A_47, %get3A_48, %get3A_49] : memref<1x1x256xf32, #tpu.memory_space<vmem>>, vector<1x1x256xf32>
      %get3A_51 = vector.shape_cast %get3A_50 : vector<1x1x256xf32> to vector<1x256xf32>
      %transpose3A = tpu.transpose %get3A_51, [1, 0] : vector<1x256xf32> -> vector<256x1xf32>
      %mul3A_52 = vector.broadcast %transpose3A : vector<256x1xf32> to vector<256x1024xf32>
      %mul3A_53 = arith.mulf %dot_general3A_46, %mul3A_52 : vector<256x1024xf32>
      %swap3A = arith.constant 0 : index
      %swap3A_54 = arith.constant 0 : index
      %swap3A_55 = vector.load %arg8[%swap3A, %swap3A_54] : memref<256x1024xf32, #tpu.memory_space<vmem>>, vector<256x1024xf32>
      tpu.vector_store %arg8[%swap3A, %swap3A_54], %mul3A_53 {strides = array<i32>} : memref<256x1024xf32, #tpu.memory_space<vmem>>, vector<256x1024xf32>,
    } else {
    }
    return
  }
  func.func @transform_0(%arg0: i32, %arg1: memref<128xi32, #tpu.memory_space<smem>>, %arg2: memref<128xi32, #tpu.memory_space<smem>>, %arg3: memref<128xi32, #tpu.memory_space<smem>>) -> (i32, i32) {
    %get3A = arith.index_cast %arg0 : i32 to index
    %get3A_0 = memref.load %arg2[%get3A] : memref<128xi32, #tpu.memory_space<smem>>
    %c0_i32 = arith.constant 0 : i32
    %c0_i32_1 = arith.constant 0 : i32
    return %get3A_0, %c0_i32 : i32, i32
  }
  func.func @transform_1(%arg0: i32, %arg1: memref<128xi32, #tpu.memory_space<smem>>, %arg2: memref<128xi32, #tpu.memory_space<smem>>, %arg3: memref<128xi32, #tpu.memory_space<smem>>) -> (i32, i32, i32, i32) {
    %get3A = arith.index_cast %arg0 : i32 to index
    %get3A_0 = memref.load %arg1[%get3A] : memref<128xi32, #tpu.memory_space<smem>>
    %c0_i32 = arith.constant 0 : i32
    %c0_i32_1 = arith.constant 0 : i32
    %c0_i32_2 = arith.constant 0 : i32
    %c0_i32_3 = arith.constant 0 : i32
    return %get3A_0, %c0_i32, %c0_i32_1, %c0_i32_2 : i32, i32, i32, i32
  }
  func.func @transform_2(%arg0: i32, %arg1: memref<128xi32, #tpu.memory_space<smem>>, %arg2: memref<128xi32, #tpu.memory_space<smem>>, %arg3: memref<128xi32, #tpu.memory_space<smem>>) -> (i32, i32, i32) {
    %get3A = arith.index_cast %arg0 : i32 to index
    %get3A_0 = memref.load %arg1[%get3A] : memref<128xi32, #tpu.memory_space<smem>>
    %c0_i32 = arith.constant 0 : i32
    %c0_i32_1 = arith.constant 0 : i32
    %c0_i32_2 = arith.constant 0 : i32
    return %get3A_0, %c0_i32, %c0_i32_1 : i32, i32, i32
  }
  func.func @transform_3(%arg0: i32, %arg1: memref<128xi32, #tpu.memory_space<smem>>, %arg2: memref<128xi32, #tpu.memory_space<smem>>, %arg3: memref<128xi32, #tpu.memory_space<smem>>) -> (i32, i32, i32) {
    %get3A = arith.index_cast %arg0 : i32 to index
    %get3A_0 = memref.load %arg2[%get3A] : memref<128xi32, #tpu.memory_space<smem>>
    %c0_i32 = arith.constant 0 : i32
    %c0_i32_1 = arith.constant 0 : i32
    %c0_i32_2 = arith.constant 0 : i32
    return %get3A_0, %c0_i32, %c0_i32_1 : i32, i32, i32
  }
  func.func @transform_4(%arg0: i32, %arg1: memref<128xi32, #tpu.memory_space<smem>>, %arg2: memref<128xi32, #tpu.memory_space<smem>>, %arg3: memref<128xi32, #tpu.memory_space<smem>>) -> (i32, i32) {
    %get3A = arith.index_cast %arg0 : i32 to index
    %get3A_0 = memref.load %arg2[%get3A] : memref<128xi32, #tpu.memory_space<smem>>
    %c0_i32 = arith.constant 0 : i32
    %c0_i32_1 = arith.constant 0 : i32
    return %get3A_0, %c0_i32 : i32, i32
  }
}

module attributes {stable_mosaic.version = 14 : i64} {
  func.func @_sum8_kernel(%arg0: i32, %arg1: memref<2048x1024xf32, #tpu.memory_space<vmem>>, %arg2: memref<256x1024xf32, #tpu.memory_space<vmem>>) attributes {dimension_semantics = [#tpu.dimension_semantics<arbitrary>], iteration_bounds = array<i64: 8>, scalar_prefetch = 0 : i64, scratch_operands = 0 : i64, tpu.core_type = #tpu.core_type<tc>, window_params = [{transform_indices = @transform_0, window_bounds = array<i64: 2048, 1024>}, {transform_indices = @transform_1, window_bounds = array<i64: 256, 1024>}]} {
    %get3A = arith.constant 0 : index
    %get3A_0 = arith.constant 0 : index
    %get3A_1 = vector.load %arg1[%get3A, %get3A_0] : memref<2048x1024xf32, #tpu.memory_space<vmem>>, vector<2048x1024xf32>
    %reshape3A = vector.shape_cast %get3A_1 : vector<2048x1024xf32> to vector<256x8x1024xf32>
    %reduce_sum3A = arith.constant dense<0.000000e+00> : vector<256x1024xf32>
    %reduce_sum3A_2 = vector.multi_reduction <add>, %reshape3A, %reduce_sum3A [1] : vector<256x8x1024xf32> to vector<256x1024xf32>
    %swap3A = arith.constant 0 : index
    %swap3A_3 = arith.constant 0 : index
    %swap3A_4 = vector.load %arg2[%swap3A, %swap3A_3] : memref<256x1024xf32, #tpu.memory_space<vmem>>, vector<256x1024xf32>
    tpu.vector_store %arg2[%swap3A, %swap3A_3], %reduce_sum3A_2 {strides = array<i32>} : memref<256x1024xf32, #tpu.memory_space<vmem>>, vector<256x1024xf32>,
    return
  }
  func.func @transform_0(%arg0: i32) -> (i32, i32) {
    %c0_i32 = arith.constant 0 : i32
    %c0_i32_0 = arith.constant 0 : i32
    return %arg0, %c0_i32 : i32, i32
  }
  func.func @transform_1(%arg0: i32) -> (i32, i32) {
    %c0_i32 = arith.constant 0 : i32
    %c0_i32_0 = arith.constant 0 : i32
    return %arg0, %c0_i32 : i32, i32
  }
}

</mosaic_0001>

<sc_bundles>
// kernel: gather_offload_async_start.1
scs
__scs_entry_jumppad:
0x0: {  	(pc) =	sbr.rel $0x88, $3  }
0x1: {  	(tag) =	ssettag $0x0;
	lr =	simm.s32 $0x1  }
0x2: {  	[smem:$0x3F9B] =	sst lr;
	_ =	strace $0xD0000000  }
0x3: {  	_ = 	snop  }
0x4: {  	_ = 	snop  }
0x5: {  	_ = 	snop  }
0x6: {  	_ = 	snop  }
0x7: {  	_ = 	snop  }
__scs_overlays_trampoline_lowered:
0x8: {  	[smem:$0x3FAA] =	sst s0  }
0x9: {  	[smem:$0x3FAB] =	sst s1  }
0xa: {  	[smem:$0x3FAC] =	sst s2  }
0xb: {  	[smem:$0x3FAD] =	sst s3  }
0xc: {  	[smem:$0x3FAE] =	sst s4  }
0xd: {  	[smem:$0x3FAF] =	sst s5  }
0xe: {  	[smem:$0x3FB0] =	sst s6  }
0xf: {  	[smem:$0x3FB1] =	sst s7  }
0x10: {  	[smem:$0x3FB2] =	sst s8  }
0x11: {  	[smem:$0x3FB3] =	sst s9;
	s0 =	simm.s32 @!p0 $0x0  }
0x12: {  	s1 =	sld [smem:$0x3F99];
	s0 =	simm.s32 @p0 $0x1  }
0x13: {  	[smem:$0x3FB4] =	sst s0;
	s0 =	simm.s32 @!p1 $0x0  }
0x14: {  	s2 =	sld [smem:$0x3F98];
	s0 =	simm.s32 @p1 $0x1  }
0x15: {  	[smem:$0x3FB5] =	sst s0;
	s0 =	simm.s32 @!p2 $0x0  }
0x16: {  	s3 =	sld [smem:$0x3FDB];
	s0 =	simm.s32 @p2 $0x1  }
0x17: {  	s4 =	simm.s32 $0x1BF5;
	[smem:$0x3FB7] =	sst s0  }
0x18: {  	s0 =	sld [smem:$0x3F9A];
	_ =	swait.ge [sflag:s4], $0x0  }
0x19: {  	s7 =	sld [smem:$0x3F9B]  }
0x1a: {  	s8 =	sadd.s32 $0xFFFFE003, lr  }
0x1b: {  	s9 =	sadd.s32 $0xFFFFFEF7, lr;
	s5 =	simm.s32 $0xFFFFFFFF;
	p2 =	slt.u32 s8, $0xFFFFF086  }
0x1c: {  	p1 =	slt.u32 s9, $0xF7A;
	s5 =	simm.s32 @!p2 $0x0  }
0x1d: {  	s5 =	simm.s32 @p1 $0x1;
	p0 =	seq.s32 s7, s2  }
0x1e: {  	s7 =	smul.u32 @!p0 $0xF7A, s2;
	p2 =	seq.s32 @!p0 s5, $0x0  }
0x1f: {  	s9 =	smul.u32 $0xF7A, s1;
	s8 =	simm.s32 @!p0 $0x1BF5;
	p2 =	por !p2, p0  }
0x20: {  	[sflag:s8] =	ssyncset.s32 @!p0 $0xFFFFF086;
	s6 =	sadd.s32 @!p0 s3, s7;
	s7 =	simm.s32 @!p0 $0x108  }
0x21: {  	s3 =	sadd.s32 s3, s9;
	s6 =	sadd.s32 @!p0 $0x88, s6;
	s7 =	simm.s32 @p2 $0x1082  }
0x22: {  	[simem:s7], [sflag:s8] =	dma.local @!p0 [hbm:s6], $0xF7A  }
0x23: {  	s9 =	sor.u32 $0xD0000000, s2;
	s6 =	simm.s32 $0x108;
	_ =	swait.ge @!p0 [sflag:s8], $0x0  }
0x24: {  	s3 =	sadd.s32 $0x88, s3;
	s6 =	simm.s32 @!p1 $0x1082;
	[sflag:s4] =	ssyncset.s32 $0xFFFFF086  }
0x25: {  	[simem:s6], [sflag:s4] =	dma.local [hbm:s3], $0xF7A  }
0x26: {  	[smem:$0x3F9B] =	sst s1;
	(tag) =	ssettag s2;
	_ =	strace s9  }
0x27: {  	s1 =	sld [smem:$0x3FAB]  }
0x28: {  	s2 =	sld [smem:$0x3FAC]  }
0x29: {  	s4 =	sld [smem:$0x3FAE]  }
0x2a: {  	p0 =	seq.s32 s5, $0x0;
	s5 =	sld [smem:$0x3FAF]  }
0x2b: {  	s6 =	sld [smem:$0x3FB0]  }
0x2c: {  	s7 =	sld [smem:$0x3FB1]  }
0x2d: {  	s3 =	simm.s32 $0x108;
	s8 =	sld [smem:$0x3FB2]  }
0x2e: {  	s3 =	simm.s32 @!p0 $0x1082;
	s9 =	sld [smem:$0x3FB3]  }
0x2f: {  	lr =	sadd.s32 s0, s3;
	s0 =	sld [smem:$0x3FAA]  }
0x30: {  	s3 =	sld [smem:$0x3FAD]  }
0x31: {  	[smem:$0x3FB6] =	sst s10  }
0x32: {  	s10 =	sld [smem:$0x3FB4];
	_ =	sdelay $0x3  }
0x33: {  	p0 =	seq.s32 s10, $0x1;
	s10 =	sld [smem:$0x3FB6];
	_ =	sdelay $0x3  }
0x34: {  	[smem:$0x3FB6] =	sst s10  }
0x35: {  	s10 =	sld [smem:$0x3FB5];
	_ =	sdelay $0x3  }
0x36: {  	p1 =	seq.s32 s10, $0x1;
	s10 =	sld [smem:$0x3FB6];
	_ =	sdelay $0x3  }
0x37: {  	[smem:$0x3FB6] =	sst s10  }
0x38: {  	s10 =	sld [smem:$0x3FB7]  }
0x39: {  	_ = 	snop;
	(pc) =	sbr.ind lr, $3  }
0x3a: {  	_ = 	snop  }
0x3b: {  	_ = 	snop  }
0x3c: {  	p2 =	seq.s32 s10, $0x1;
	s10 =	sld [smem:$0x3FB6]  }
0x3d: {  	_ =	shalt  }
0x3e: {  	_ =	shalt  }
0x3f: {  	_ =	shalt  }
0x40: {  	_ =	shalt  }
0x41: {  	_ =	shalt  }
0x42: {  	_ =	shalt  }
0x43: {  	_ =	shalt  }
0x44: {  	_ =	shalt  }
0x45: {  	_ =	shalt  }
0x46: {  	_ =	shalt  }
0x47: {  	_ =	shalt  }
0x48: {  	_ =	shalt  }
0x49: {  	_ =	shalt  }
0x4a: {  	_ =	shalt  }
0x4b: {  	_ =	shalt  }
0x4c: {  	_ =	shalt  }
0x4d: {  	_ =	shalt  }
0x4e: {  	_ =	shalt  }
0x4f: {  	_ =	shalt  }
0x50: {  	_ =	shalt  }
0x51: {  	_ =	shalt  }
0x52: {  	_ =	shalt  }
0x53: {  	_ =	shalt  }
0x54: {  	_ =	shalt  }
0x55: {  	_ =	shalt  }
0x56: {  	_ =	shalt  }
0x57: {  	_ =	shalt  }
0x58: {  	_ =	shalt  }
0x59: {  	_ =	shalt  }
0x5a: {  	_ =	shalt  }
0x5b: {  	_ =	shalt  }
0x5c: {  	_ =	shalt  }
0x5d: {  	_ =	shalt  }
0x5e: {  	_ =	shalt  }
0x5f: {  	_ =	shalt  }
0x60: {  	_ =	shalt  }
0x61: {  	_ =	shalt  }
0x62: {  	_ =	shalt  }
0x63: {  	_ =	shalt  }
0x64: {  	_ =	shalt  }
0x65: {  	_ =	shalt  }
0x66: {  	_ =	shalt  }
0x67: {  	_ =	shalt  }
0x68: {  	_ =	shalt  }
0x69: {  	_ =	shalt  }
0x6a: {  	_ =	shalt  }
0x6b: {  	_ =	shalt  }
0x6c: {  	_ =	shalt  }
0x6d: {  	_ =	shalt  }
0x6e: {  	_ =	shalt  }
0x6f: {  	_ =	shalt  }
0x70: {  	_ =	shalt  }
0x71: {  	_ =	shalt  }
0x72: {  	_ =	shalt  }
0x73: {  	_ =	shalt  }
0x74: {  	_ =	shalt  }
0x75: {  	_ =	shalt  }
0x76: {  	_ =	shalt  }
0x77: {  	_ =	shalt  }
0x78: {  	_ =	shalt  }
0x79: {  	_ =	shalt  }
0x7a: {  	_ =	shalt  }
0x7b: {  	_ =	shalt  }
0x7c: {  	_ =	shalt  }
0x7d: {  	_ =	shalt  }
0x7e: {  	_ =	shalt  }
0x7f: {  	_ =	shalt  }
0x80: {  	_ =	shalt  }
0x81: {  	_ =	shalt  }
0x82: {  	_ =	shalt  }
0x83: {  	_ =	shalt  }
0x84: {  	_ =	shalt  }
0x85: {  	_ =	shalt  }
0x86: {  	_ =	shalt  }
0x87: {  	_ =	shalt  }
.Lfunc_end0:
.L_simem_size_0:
called_computation.1_lowered:
.L_overlay_start_0:
0x88: {  	s2 =	sld [smem:$0x3FD9]  }
0x89: {  	s3 =	sld [smem:$0x3FFE];
	_ =	sdelay $0x1  }
0x8a: {  	s1 =	srdreg.scid  }
0x8b: {  	s0 =	sand.u32 $0x1, s1  }
0x8c: {  	s16 =	sshll.u32 s0, $0xA;
	s2 =	sadd.s32 s3, s2  }
0x8d: {  	s2 =	sadd.s32 s2, s16  }
0x8e: {  	[smem:$0x3FC2] =	sst s2  }
0x8f: {  	_ = 	snop  }
0x90: {  	(tm) =	ssettm $0x1  }
0x91: {  	s17 =	sld [smem:$0x3FFB];
	_ =	sdelay $0x3  }
0x92: {  	_ =	strace s17  }
0x93: {  	s2 =	sld [smem:$0x3FFC];
	_ =	sdelay $0x3  }
0x94: {  	_ =	strace s2  }
0x95: {  	s2 =	sld [smem:$0x3FFD];
	_ =	sdelay $0x3  }
0x96: {  	_ =	strace s2  }
0x97: {  	_ =	strace $0x8FFFFFFF  }
0x98: {  	s18 =	sld [smem:$0x3FDB];
	_ =	sdelay $0x1  }
0x99: {  	s19 =	simm.s32 $_scs_section_size  }
0x9a: {  	s4 =	simm.s32 $_size__tile_overlayer_lowered;
	s5 =	simm.s32 $_tile_overlayer_lowered  }
0x9b: {  	s22 =	simm.s32 $0x1BFF;
	s21 =	sshll.u32 s5, $0x1;
	s2 =	sadd.s32 s19, s18  }
0x9c: {  	s6 =	simm.s32 $0x0;
	s20 =	sshll.u32 s4, $0x1;
	s4 =	sadd.s32 s21, s2  }
0x9d: {  	[timem:s6], [sflag:s22] =	dma.local [hbm:s4], s20  }
0x9e: {  	_ =	swait.ge [sflag:s22], s20  }
0x9f: {  	s3 =	ssub.s32 $0x0, s20;
	[sflag:s22] =	ssyncset.done $0x0  }
0xa0: {  	[sflag:s22] =	ssyncadd.s32 s3;
	_ =	sdelay $0x1  }
0xa1: {  	s23 =	simm.s32 $0x1B8B  }
0xa2: {  	_ =	swait.ge [sflag:s23], $0x1  }
0xa3: {  	[sflag:s23] =	ssyncset.done $0x0  }
0xa4: {  	s25 =	simm.s32 $0x1B8E;
	s24 =	sld [smem:$0x3FFE];
	[sflag:s23] =	ssyncadd.s32 $0xFFFFFFFF  }
0xa5: {  	s26 =	simm.s32 $execute0_lowered;
	[smem:$0x3FD2] =	sst s25  }
0xa6: {  	s4 =	sshll.u32 s26, $0x1;
	_ =	strace $0x80000049;
	[dreg:$0x1] =	wrdreg $0xFFFFFFFF  }
0xa7: {  	s28 =	simm.s32 $_size_execute0_lowered;
	s2 =	sadd.s32 s2, s4;
	[dreg:$0x0] =	wrdreg $0x0  }
0xa8: {  	s4 =	sshll.u32 s28, $0x1;
	[dreg:$0x2] =	wrdreg s2  }
0xa9: {  	[dreg:$0x3] =	wrdreg s4  }
0xaa: {  	[dreg:$0x4] =	wrdreg $0xC0  }
0xab: {  	_ =	task [dreg:s6], $0x5FFFF  }
0xac: {  	[dreg:$0x1] =	wrdreg $0xFFFFFFFF  }
0xad: {  	[dreg:$0x0] =	wrdreg $0x60  }
0xae: {  	[dreg:$0x2] =	wrdreg s24  }
0xaf: {  	[dreg:$0x3] =	wrdreg $0x9  }
0xb0: {  	_ =	task.clear_ibuf [dreg:s6], $0x4FFFF;
	_ =	strace $0x90000049  }
0xb1: {  	s29 =	simm.s32 $0x9;
	_ =	strace $0x8000004B  }
0xb2: {  	_ =	swait.ge [sflag:s29], $0x1  }
0xb3: {  	[sflag:s29] =	ssyncadd.s32 $0xFFFFFFFF  }
0xb4: {  	_ =	strace $0x9000004B  }
0xb5: {  	_ =	sfence  }
0xb6: {  	s30 =	sld [smem:$0x0];
	_ =	sdelay $0x2  }
0xb7: {  	s31 =	sshll.u32 s1, $0xD;
	s1 =	sshrl.u32 s1, $0x2  }
0xb8: {  	s3 =	sand.u32 $0x4000, s31;
	s1 =	sadd.s32 s1, s30  }
0xb9: {  	s0 =	sor.u32 s3, s0;
	s1 =	sshll.u32 s1, $0x11  }
0xba: {  	s0 =	sor.u32 s1, s0  }
0xbb: {  	s0 =	sadd.s32 $0x8F2B, s0  }
0xbc: {  	[sflag:s0] =	ssyncadd.remote.s32 $0x1  }
0xbd: {  	_ =	sfence.sel $0xFFFF  }
0xbe: {  	[dreg:$0x0] =	wrdreg $0xFFFFFFFF;
	(pc) =	sbr.abs _section_cstart, $3  }
0xbf: {  	[dreg:$0x1] =	wrdreg $0xFFFFFFFF  }
0xc0: {  	_ =	task.clear_ibuf [dreg:s6], $0x2FFFF;
	_ =	strace $0x9FFFFFFF  }
0xc1: {  	(tm) =	ssettm $0x7FFFFFFF  }
tec
execute0_lowered:
.L_overlay_start_1:
0x0: {  	(tag) =	ssettag $0x1  }
0x1: {  	s0 =	srdreg.scid;
	s5 =	rddreg [dreg:$0x0]  }
0x2: {  	s1 =	stileid.u32;
	s6 =	simm.s32 $0x1;
	s9 =	simm.s32 $0x1  }
0x3: {  	s10 =	simm.s32 $0x3;
	s13 =	simm.s32 $0x0;
	s2 =	sshll.u32 s0, $0x8  }
0x4: {  	s12 =	simm.s32 $0x0;
	s3 =	sshll.u32 s1, $0x9;
	s2 =	sand.u32 $0x100, s2  }
0x5: {  	s0 =	rddreg [dreg:$0x1];
	_ =	strace $0x8000004A;
	s2 =	sor.u32 s3, s2  }
0x6: {  	s4 =	sadd.s32 $0x5C00, s5;
	[sflag:s6] =	ssyncpa.u1 $0x0;
	s8 =	ssub.s32 $0x4000, s2  }
.Ltmp0:
0x7: {  	s3 =	sadd.s32 $0xDA00, s5;
	s7 =	sand.u32 $0x1F00, s8;
	(pc) =	sbr.rel .LBB2_1-.Ltmp0, $4  }
0x8: {  	s5 =	sadd.s32 $0x6C00, s5;
	s11 =	smov.u32 s2;
	p0 =	sne.s32 s7, $0x0  }
0x9: {  	s8 =	sshrl.u32 s8, $0xD;
	s7 =	simm.s32 $0x2;
	s9 =	simm.s32 @!p0 $0x0  }
0xa: {  	[sflag:s7] =	ssyncpa.u1 $0x0;
	p0 =	por $0x0, $0x0;
	s8 =	sadd.s32 s9, s8  }
0xb: {  	vm0 =	vmmov $0xffff;
	[sflag:s10] =	ssyncpa.u1 $0x0;
	s10 =	simm.s32 $0x0;
	s9 =	sadd.s32 $0x1, s8  }
.LBB2_4:
0xc: {  	vm1 =	veq.s32 v0, $0x80000000;
	v63 =	vand.u32 $0x7FF, v0;
	v2 =	vand.u32 $0x3F, v2  }
0xd: {  	v0 =	vsel vm1, $0xFFFFFFFF, v63;
	v2 =	vsel vm1, $0xFFFFFFFF, v2  }
0xe: {  	v3 =	vshll.u32 v2, $0xB;
	v4 =	vshll.u32 v0, $0x3  }
0xf: {  	v2 =	vshll.u32 v2, $0x7;
	v3 =	vand.u32 $0xFFFFC000, v3;
	v4 =	vand.u32 $0xFFFFFC00, v4  }
0x10: {  	v2 =	vand.u32 $0x380, v2;
	v3 =	vadd.s32 v4, v3  }
0x11: {  	v0 =	vand.u32 $0x7F, v0;
	v2 =	vor.u32 v2, v3  }
0x12: {  	v0 =	vor.u32 v0, v2;
	_ =	sdelay $0x1  }
0x13: {  	(ifvalue) =	ssetifvalue $0x7FFFFFFF;
	s14 =	sadd.s32 $0x10, s14  }
0x14: {  	[tilespmem:s14], [sflag:$0x1] =	stream.indirect_vreg.gather [hbm4b:s3+s10], $0x1, v1, vm0, $0x4038;
	[tilespmem:$0x400] =	vst v63  }
0x15: {  	(ifvalue) =	ssetifvalue $0x7FFFFFFF;
	s14 =	sadd.s32 $0x10, s14  }
0x16: {  	[tilespmem:s14], [sflag:$0x1] =	stream.indirect_vreg.gather [hbm4b:s3+s10], $0x1, v0, vm0, $0x4038;
	[tilespmem:$0x400] =	vst v63  }
0x17: {  	_ =	swait.ge [sflag:s6], $0x100  }
0x18: {  	s30 =	sshrl.u32 s13, $0x3;
	[sflag:s6] =	ssyncset.done $0x0  }
0x19: {  	s31 =	sand.u32 $0x7, s13;
	s14 =	sadd.s32 s5, s30;
	[sflag:s6] =	ssyncadd.s32 $0xFFFFFF00  }
0x1a: {  	[hbm4b:s14+s31] =	stream.linear.scatter [tilespmem:s15], [sflag:$0x3], $0x100, $0x38;
	[tilespmem:$0x400] =	vst v63  }
.LBB2_5:
0x1b: {  	s15 =	sadd.s32 $0x2000, s11  }
0x1c: {  	p2 =	sgt.s32 s15, $0x3FFF  }
0x1d: {  	s15 =	smov.u32 @p2 s2;
	p2 =	sne.s32 s12, s9  }
.Ltmp1:
0x1e: {  	p1 =	slt.u32 s12, $0x2;
	(pc) =	sbr.rel @!p2 .LBB2_6-.Ltmp1, $4  }
0x1f: {  	s14 =	simm.s32 @!p1 $0x3  }
0x20: {  	s16 =	sadd.s32 $0x1, s12;
	_ =	swait.ge @!p1 [sflag:s14], $0x100  }
0x21: {  	s13 =	smov.u32 s11;
	p0 =	por !p0, !p0;
	[sflag:s14] =	ssyncset.done @!p1 $0x0  }
0x22: {  	s12 =	smov.u32 s16;
	s11 =	smov.u32 s15;
	[sflag:s14] =	ssyncadd.s32 @!p1 $0xFFFFFF00  }
.LBB2_1:
0x23: {  	p1 =	sge.u32 s12, s8  }
0x24: {  	s14 =	sxor.u32 @!p1 $0xFFFFFFFF, s12  }
0x25: {  	s31 =	sadd.s32 $0xFFFFFFFF, s12;
	s15 =	sshrl.u32 @!p1 s11, $0x3;
	s14 =	sshll.u32 @!p1 s14, $0x8  }
0x26: {  	s16 =	sand.u32 @!p1 $0x7, s11;
	s15 =	sadd.s32 @!p1 s4, s15;
	s14 =	sand.u32 @!p1 $0x100, s14  }
0x27: {  	[tilespmem:s14], [sflag:$0x2] =	stream.linear.gather @!p1 [hbm4b:s15+s16], $0x100, $0x38;
	[tilespmem:$0x400] =	vst v63  }
0x28: {  	p1 =	sge.u32 s31, s8  }
.Ltmp2:
0x29: {  	_ = 	snop;
	(pc) =	sbr.rel @p1 .LBB2_5-.Ltmp2, $1  }
0x2a: {  	_ =	sdelay $0x3  }
0x2b: {  	s14 =	simm.s32 $0x1  }
0x2c: {  	_ =	swait.ge [sflag:s7], $0x100;
	s14 =	simm.s32 @!p0 $0x0  }
0x2d: {  	[sflag:s7] =	ssyncset.done $0x0;
	s14 =	sshll.u32 s14, $0x8  }
0x2e: {  	[sflag:s7] =	ssyncadd.s32 $0xFFFFFF00;
	(ifvalue) =	ssetifvalue $0x7FFFFFFF;
	v0 =	vld.msk [tilespmem:s14+$0x0 ss:$0x1], $0xffff;
	_ =	sdelay $0x4  }
0x2f: {  	s15 =	sadd.s32 $0x10, s14;
	v1 =	vshrl.u32 v0, $0xB  }
0x30: {  	v2 =	vld.msk [tilespmem:s15+$0x0 ss:$0x1], $0xffff;
	vm1 =	veq.s32 v0, $0x80000000;
	v0 =	vand.u32 $0x7FF, v0;
	v1 =	vand.u32 $0x3F, v1  }
0x31: {  	v0 =	vsel vm1, $0xFFFFFFFF, v0;
	v1 =	vsel vm1, $0xFFFFFFFF, v1  }
0x32: {  	v4 =	vshll.u32 v0, $0x3;
	v3 =	vshll.u32 v1, $0xB  }
0x33: {  	v4 =	vand.u32 $0xFFFFFC00, v4;
	v1 =	vshll.u32 v1, $0x7;
	v3 =	vand.u32 $0xFFFFC000, v3  }
0x34: {  	v0 =	vand.u32 $0x7F, v0;
	v1 =	vand.u32 $0x380, v1;
	v3 =	vadd.s32 v4, v3  }
0x35: {  	vm1 =	veq.s32 v2, $0x80000000;
	v1 =	vor.u32 v1, v3;
	v3 =	vshrl.u32 v2, $0xB  }
0x36: {  	s17 =	sadd.s32 $0x10, s15;
	v2 =	vand.u32 $0x7FF, v2;
	v1 =	vor.u32 v0, v1;
	v3 =	vand.u32 $0x3F, v3  }
0x37: {  	v0 =	vld.msk [tilespmem:s17+$0x0 ss:$0x1], $0xffff;
	v2 =	vsel vm1, $0xFFFFFFFF, v2;
	v3 =	vsel vm1, $0xFFFFFFFF, v3  }
0x38: {  	v5 =	vshll.u32 v2, $0x3;
	v63 =	vshll.u32 v3, $0xB  }
0x39: {  	s31 =	sshll.u32 s12, $0x8;
	v5 =	vand.u32 $0xFFFFFC00, v5;
	v3 =	vshll.u32 v3, $0x7;
	v4 =	vand.u32 $0xFFFFC000, v63  }
0x3a: {  	s14 =	sor.u32 $0x200, s14;
	s15 =	sand.u32 $0x100, s31;
	(ifvalue) =	ssetifvalue $0x7FFFFFFF;
	v3 =	vand.u32 $0x380, v3;
	v4 =	vadd.s32 v5, v4  }
0x3b: {  	[tilespmem:s14], [sflag:$0x1] =	stream.indirect_vreg.gather [hbm4b:s3+s10], $0x1, v1, vm0, $0x4038;
	v1 =	vand.u32 $0x7F, v2;
	v3 =	vor.u32 v3, v4;
	[tilespmem:$0x400] =	vst v63  }
0x3c: {  	s16 =	simm.s32 $0x20;
	s15 =	sor.u32 $0x200, s15;
	s17 =	sadd.s32 $0x10, s17;
	v2 =	vshrl.u32 v0, $0xB;
	v1 =	vor.u32 v1, v3  }
.LBB2_3:
0x3d: {  	s16 =	sadd.s32 $0x10, s16;
	vm1 =	veq.s32 v0, $0x80000000;
	v3 =	vand.u32 $0x7FF, v0;
	v0 =	vld.msk [tilespmem:s17+$0x0 ss:$0x1], $0xffff;
	v2 =	vand.u32 $0x3F, v2  }
0x3e: {  	p1 =	slt.u32 s16, $0xF0;
	v3 =	vsel vm1, $0xFFFFFFFF, v3;
	v2 =	vsel vm1, $0xFFFFFFFF, v2  }
.Ltmp3:
0x3f: {  	v4 =	vshll.u32 v2, $0xB;
	v5 =	vshll.u32 v3, $0x3;
	(pc) =	sbr.rel @p1 .LBB2_3-.Ltmp3, $4  }
0x40: {  	s14 =	sadd.s32 $0x10, s14;
	v2 =	vshll.u32 v2, $0x7;
	v4 =	vand.u32 $0xFFFFC000, v4;
	v5 =	vand.u32 $0xFFFFFC00, v5;
	(ifvalue) =	ssetifvalue $0x7FFFFFFF  }
0x41: {  	v2 =	vand.u32 $0x380, v2;
	v4 =	vadd.s32 v5, v4;
	[tilespmem:s14], [sflag:$0x1] =	stream.indirect_vreg.gather [hbm4b:s3+s10], $0x1, v1, vm0, $0x4038;
	[tilespmem:$0x400] =	vst v63  }
0x42: {  	v1 =	vand.u32 $0x7F, v3;
	v3 =	vor.u32 v2, v4  }
0x43: {  	s17 =	sadd.s32 $0x10, s17;
	v2 =	vshrl.u32 v0, $0xB;
	v1 =	vor.u32 v1, v3  }
.Ltmp4:
0x44: {  	_ = 	snop;
	(pc) =	sbr.rel .LBB2_4-.Ltmp4, $1  }
0x45: {  	_ =	sdelay $0x3  }
.LBB2_6:
0x46: {  	_ =	sfence.sel $0x180000  }
0x47: {  	s2 =	simm.s32 $0x2;
	[bflag:$0x0] =	sbarrier.arrive $0xFFFF  }
0x48: {  	s30 =	simm.s32 $0x3;
	[sflag:s2] =	ssyncpa.u1 $0x1  }
0x49: {  	s31 =	simm.s32 $0x1;
	[sflag:s30] =	ssyncpa.u1 $0x1  }
0x4a: {  	[sflag:s31] =	ssyncpa.u1 $0x1  }
0x4b: {  	p0 =	sne.s32 s1, $0x0;
	_ =	strace $0x9000004A  }
0x4c: {  	s0 =	sadd.s32 @!p0 $0x100000, s0;
	[bflag:$0x2] =	sbarrier.arrive $0xFFFF  }
0x4d: {  	[sflag:s0] =	ssyncadd.tile.s32 @!p0 $0x1;
	_ =	shalt  }
.Lfunc_end2:
_tile_overlayer_lowered:
.L_overlay_start_2:
0x4e: {  	(tag) =	ssettag $0x2  }
0x4f: {  	s0 =	rddreg [dreg:$0x0];
	s2 =	stileid.u32  }
0x50: {  	s1 =	rddreg [dreg:$0x1];
	p0 =	sne.s32 s2, $0x0  }
0x51: {  	s3 =	rddreg [dreg:$0x2];
	[bflag:$0x3] =	sbarrier.arrive $0xFFFF;
	s2 =	simm.s32 @!p0 $0x1C01  }
0x52: {  	[timem:s3], [sflag:s2] =	dma.local @!p0 [hbm:s0], s1  }
0x53: {  	s0 =	simm.s32 @!p0 $0x1  }
0x54: {  	_ =	swait.ge @!p0 [sflag:s0], s1  }
0x55: {  	s1 =	ssub.s32 @!p0 $0x0, s1;
	[sflag:s0] =	ssyncset.done @!p0 $0x0  }
0x56: {  	[sflag:s0] =	ssyncadd.s32 @!p0 s1  }
0x57: {  	[bflag:$0x3] =	sbarrier.arrive $0xFFFF  }
0x58: {  	_ =	shalt  }

// kernel: gather_offload_async_start
scs
__scs_entry_jumppad:
0x0: {  	(pc) =	sbr.rel $0x88, $3  }
0x1: {  	(tag) =	ssettag $0x0;
	lr =	simm.s32 $0x1  }
0x2: {  	[smem:$0x3F9B] =	sst lr;
	_ =	strace $0xD0000000  }
0x3: {  	_ = 	snop  }
0x4: {  	_ = 	snop  }
0x5: {  	_ = 	snop  }
0x6: {  	_ = 	snop  }
0x7: {  	_ = 	snop  }
__scs_overlays_trampoline_lowered:
0x8: {  	[smem:$0x3FAA] =	sst s0  }
0x9: {  	[smem:$0x3FAB] =	sst s1  }
0xa: {  	[smem:$0x3FAC] =	sst s2  }
0xb: {  	[smem:$0x3FAD] =	sst s3  }
0xc: {  	[smem:$0x3FAE] =	sst s4  }
0xd: {  	[smem:$0x3FAF] =	sst s5  }
0xe: {  	[smem:$0x3FB0] =	sst s6  }
0xf: {  	[smem:$0x3FB1] =	sst s7  }
0x10: {  	[smem:$0x3FB2] =	sst s8  }
0x11: {  	[smem:$0x3FB3] =	sst s9;
	s0 =	simm.s32 @!p0 $0x0  }
0x12: {  	s1 =	sld [smem:$0x3F99];
	s0 =	simm.s32 @p0 $0x1  }
0x13: {  	[smem:$0x3FB4] =	sst s0;
	s0 =	simm.s32 @!p1 $0x0  }
0x14: {  	s2 =	sld [smem:$0x3F98];
	s0 =	simm.s32 @p1 $0x1  }
0x15: {  	[smem:$0x3FB5] =	sst s0;
	s0 =	simm.s32 @!p2 $0x0  }
0x16: {  	s3 =	sld [smem:$0x3FDB];
	s0 =	simm.s32 @p2 $0x1  }
0x17: {  	s4 =	simm.s32 $0x1BF5;
	[smem:$0x3FB7] =	sst s0  }
0x18: {  	s0 =	sld [smem:$0x3F9A];
	_ =	swait.ge [sflag:s4], $0x0  }
0x19: {  	s7 =	sld [smem:$0x3F9B]  }
0x1a: {  	s8 =	sadd.s32 $0xFFFFE003, lr  }
0x1b: {  	s9 =	sadd.s32 $0xFFFFFEF7, lr;
	s5 =	simm.s32 $0xFFFFFFFF;
	p2 =	slt.u32 s8, $0xFFFFF086  }
0x1c: {  	p1 =	slt.u32 s9, $0xF7A;
	s5 =	simm.s32 @!p2 $0x0  }
0x1d: {  	s5 =	simm.s32 @p1 $0x1;
	p0 =	seq.s32 s7, s2  }
0x1e: {  	s7 =	smul.u32 @!p0 $0xF7A, s2;
	p2 =	seq.s32 @!p0 s5, $0x0  }
0x1f: {  	s9 =	smul.u32 $0xF7A, s1;
	s8 =	simm.s32 @!p0 $0x1BF5;
	p2 =	por !p2, p0  }
0x20: {  	[sflag:s8] =	ssyncset.s32 @!p0 $0xFFFFF086;
	s6 =	sadd.s32 @!p0 s3, s7;
	s7 =	simm.s32 @!p0 $0x108  }
0x21: {  	s3 =	sadd.s32 s3, s9;
	s6 =	sadd.s32 @!p0 $0x88, s6;
	s7 =	simm.s32 @p2 $0x1082  }
0x22: {  	[simem:s7], [sflag:s8] =	dma.local @!p0 [hbm:s6], $0xF7A  }
0x23: {  	s9 =	sor.u32 $0xD0000000, s2;
	s6 =	simm.s32 $0x108;
	_ =	swait.ge @!p0 [sflag:s8], $0x0  }
0x24: {  	s3 =	sadd.s32 $0x88, s3;
	s6 =	simm.s32 @!p1 $0x1082;
	[sflag:s4] =	ssyncset.s32 $0xFFFFF086  }
0x25: {  	[simem:s6], [sflag:s4] =	dma.local [hbm:s3], $0xF7A  }
0x26: {  	[smem:$0x3F9B] =	sst s1;
	(tag) =	ssettag s2;
	_ =	strace s9  }
0x27: {  	s1 =	sld [smem:$0x3FAB]  }
0x28: {  	s2 =	sld [smem:$0x3FAC]  }
0x29: {  	s4 =	sld [smem:$0x3FAE]  }
0x2a: {  	p0 =	seq.s32 s5, $0x0;
	s5 =	sld [smem:$0x3FAF]  }
0x2b: {  	s6 =	sld [smem:$0x3FB0]  }
0x2c: {  	s7 =	sld [smem:$0x3FB1]  }
0x2d: {  	s3 =	simm.s32 $0x108;
	s8 =	sld [smem:$0x3FB2]  }
0x2e: {  	s3 =	simm.s32 @!p0 $0x1082;
	s9 =	sld [smem:$0x3FB3]  }
0x2f: {  	lr =	sadd.s32 s0, s3;
	s0 =	sld [smem:$0x3FAA]  }
0x30: {  	s3 =	sld [smem:$0x3FAD]  }
0x31: {  	[smem:$0x3FB6] =	sst s10  }
0x32: {  	s10 =	sld [smem:$0x3FB4];
	_ =	sdelay $0x3  }
0x33: {  	p0 =	seq.s32 s10, $0x1;
	s10 =	sld [smem:$0x3FB6];
	_ =	sdelay $0x3  }
0x34: {  	[smem:$0x3FB6] =	sst s10  }
0x35: {  	s10 =	sld [smem:$0x3FB5];
	_ =	sdelay $0x3  }
0x36: {  	p1 =	seq.s32 s10, $0x1;
	s10 =	sld [smem:$0x3FB6];
	_ =	sdelay $0x3  }
0x37: {  	[smem:$0x3FB6] =	sst s10  }
0x38: {  	s10 =	sld [smem:$0x3FB7]  }
0x39: {  	_ = 	snop;
	(pc) =	sbr.ind lr, $3  }
0x3a: {  	_ = 	snop  }
0x3b: {  	_ = 	snop  }
0x3c: {  	p2 =	seq.s32 s10, $0x1;
	s10 =	sld [smem:$0x3FB6]  }
0x3d: {  	_ =	shalt  }
0x3e: {  	_ =	shalt  }
0x3f: {  	_ =	shalt  }
0x40: {  	_ =	shalt  }
0x41: {  	_ =	shalt  }
0x42: {  	_ =	shalt  }
0x43: {  	_ =	shalt  }
0x44: {  	_ =	shalt  }
0x45: {  	_ =	shalt  }
0x46: {  	_ =	shalt  }
0x47: {  	_ =	shalt  }
0x48: {  	_ =	shalt  }
0x49: {  	_ =	shalt  }
0x4a: {  	_ =	shalt  }
0x4b: {  	_ =	shalt  }
0x4c: {  	_ =	shalt  }
0x4d: {  	_ =	shalt  }
0x4e: {  	_ =	shalt  }
0x4f: {  	_ =	shalt  }
0x50: {  	_ =	shalt  }
0x51: {  	_ =	shalt  }
0x52: {  	_ =	shalt  }
0x53: {  	_ =	shalt  }
0x54: {  	_ =	shalt  }
0x55: {  	_ =	shalt  }
0x56: {  	_ =	shalt  }
0x57: {  	_ =	shalt  }
0x58: {  	_ =	shalt  }
0x59: {  	_ =	shalt  }
0x5a: {  	_ =	shalt  }
0x5b: {  	_ =	shalt  }
0x5c: {  	_ =	shalt  }
0x5d: {  	_ =	shalt  }
0x5e: {  	_ =	shalt  }
0x5f: {  	_ =	shalt  }
0x60: {  	_ =	shalt  }
0x61: {  	_ =	shalt  }
0x62: {  	_ =	shalt  }
0x63: {  	_ =	shalt  }
0x64: {  	_ =	shalt  }
0x65: {  	_ =	shalt  }
0x66: {  	_ =	shalt  }
0x67: {  	_ =	shalt  }
0x68: {  	_ =	shalt  }
0x69: {  	_ =	shalt  }
0x6a: {  	_ =	shalt  }
0x6b: {  	_ =	shalt  }
0x6c: {  	_ =	shalt  }
0x6d: {  	_ =	shalt  }
0x6e: {  	_ =	shalt  }
0x6f: {  	_ =	shalt  }
0x70: {  	_ =	shalt  }
0x71: {  	_ =	shalt  }
0x72: {  	_ =	shalt  }
0x73: {  	_ =	shalt  }
0x74: {  	_ =	shalt  }
0x75: {  	_ =	shalt  }
0x76: {  	_ =	shalt  }
0x77: {  	_ =	shalt  }
0x78: {  	_ =	shalt  }
0x79: {  	_ =	shalt  }
0x7a: {  	_ =	shalt  }
0x7b: {  	_ =	shalt  }
0x7c: {  	_ =	shalt  }
0x7d: {  	_ =	shalt  }
0x7e: {  	_ =	shalt  }
0x7f: {  	_ =	shalt  }
0x80: {  	_ =	shalt  }
0x81: {  	_ =	shalt  }
0x82: {  	_ =	shalt  }
0x83: {  	_ =	shalt  }
0x84: {  	_ =	shalt  }
0x85: {  	_ =	shalt  }
0x86: {  	_ =	shalt  }
0x87: {  	_ =	shalt  }
.Lfunc_end0:
.L_simem_size_0:
called_computation_lowered:
.L_overlay_start_0:
0x88: {  	s2 =	sld [smem:$0x3FD9]  }
0x89: {  	s3 =	sld [smem:$0x3FFE];
	_ =	sdelay $0x1  }
0x8a: {  	s1 =	srdreg.scid  }
0x8b: {  	s0 =	sand.u32 $0x1, s1  }
0x8c: {  	s16 =	sshll.u32 s0, $0xA;
	s2 =	sadd.s32 s3, s2  }
0x8d: {  	s2 =	sadd.s32 s2, s16  }
0x8e: {  	[smem:$0x3FC2] =	sst s2  }
0x8f: {  	_ = 	snop  }
0x90: {  	(tm) =	ssettm $0x1  }
0x91: {  	s17 =	sld [smem:$0x3FFB];
	_ =	sdelay $0x3  }
0x92: {  	_ =	strace s17  }
0x93: {  	s2 =	sld [smem:$0x3FFC];
	_ =	sdelay $0x3  }
0x94: {  	_ =	strace s2  }
0x95: {  	s2 =	sld [smem:$0x3FFD];
	_ =	sdelay $0x3  }
0x96: {  	_ =	strace s2  }
0x97: {  	_ =	strace $0x8FFFFFFF  }
0x98: {  	s18 =	sld [smem:$0x3FDB];
	_ =	sdelay $0x1  }
0x99: {  	s19 =	simm.s32 $_scs_section_size  }
0x9a: {  	s4 =	simm.s32 $_size__tile_overlayer_lowered;
	s5 =	simm.s32 $_tile_overlayer_lowered  }
0x9b: {  	s22 =	simm.s32 $0x1BFF;
	s21 =	sshll.u32 s5, $0x1;
	s2 =	sadd.s32 s19, s18  }
0x9c: {  	s6 =	simm.s32 $0x0;
	s20 =	sshll.u32 s4, $0x1;
	s4 =	sadd.s32 s21, s2  }
0x9d: {  	[timem:s6], [sflag:s22] =	dma.local [hbm:s4], s20  }
0x9e: {  	_ =	swait.ge [sflag:s22], s20  }
0x9f: {  	s3 =	ssub.s32 $0x0, s20;
	[sflag:s22] =	ssyncset.done $0x0  }
0xa0: {  	[sflag:s22] =	ssyncadd.s32 s3;
	_ =	sdelay $0x1  }
0xa1: {  	s23 =	simm.s32 $0x1B8B  }
0xa2: {  	_ =	swait.ge [sflag:s23], $0x1  }
0xa3: {  	[sflag:s23] =	ssyncset.done $0x0  }
0xa4: {  	s25 =	simm.s32 $0x1B8E;
	s24 =	sld [smem:$0x3FFE];
	[sflag:s23] =	ssyncadd.s32 $0xFFFFFFFF  }
0xa5: {  	s26 =	simm.s32 $execute0_lowered;
	[smem:$0x3FD2] =	sst s25  }
0xa6: {  	s4 =	sshll.u32 s26, $0x1;
	_ =	strace $0x80000046;
	[dreg:$0x1] =	wrdreg $0xFFFFFFFF  }
0xa7: {  	s28 =	simm.s32 $_size_execute0_lowered;
	s2 =	sadd.s32 s2, s4;
	[dreg:$0x0] =	wrdreg $0x0  }
0xa8: {  	s4 =	sshll.u32 s28, $0x1;
	[dreg:$0x2] =	wrdreg s2  }
0xa9: {  	[dreg:$0x3] =	wrdreg s4  }
0xaa: {  	[dreg:$0x4] =	wrdreg $0xC0  }
0xab: {  	_ =	task [dreg:s6], $0x5FFFF  }
0xac: {  	[dreg:$0x1] =	wrdreg $0xFFFFFFFF  }
0xad: {  	[dreg:$0x0] =	wrdreg $0x60  }
0xae: {  	[dreg:$0x2] =	wrdreg s24  }
0xaf: {  	[dreg:$0x3] =	wrdreg $0x9  }
0xb0: {  	_ =	task.clear_ibuf [dreg:s6], $0x4FFFF;
	_ =	strace $0x90000046  }
0xb1: {  	s29 =	simm.s32 $0x9;
	_ =	strace $0x80000048  }
0xb2: {  	_ =	swait.ge [sflag:s29], $0x1  }
0xb3: {  	[sflag:s29] =	ssyncadd.s32 $0xFFFFFFFF  }
0xb4: {  	_ =	strace $0x90000048  }
0xb5: {  	_ =	sfence  }
0xb6: {  	s30 =	sld [smem:$0x0];
	_ =	sdelay $0x2  }
0xb7: {  	s31 =	sshll.u32 s1, $0xD;
	s1 =	sshrl.u32 s1, $0x2  }
0xb8: {  	s3 =	sand.u32 $0x4000, s31;
	s1 =	sadd.s32 s1, s30  }
0xb9: {  	s0 =	sor.u32 s3, s0;
	s1 =	sshll.u32 s1, $0x11  }
0xba: {  	s0 =	sor.u32 s1, s0  }
0xbb: {  	s0 =	sadd.s32 $0x8F2B, s0  }
0xbc: {  	[sflag:s0] =	ssyncadd.remote.s32 $0x1  }
0xbd: {  	_ =	sfence.sel $0xFFFF  }
0xbe: {  	[dreg:$0x0] =	wrdreg $0xFFFFFFFF;
	(pc) =	sbr.abs _section_cstart, $3  }
0xbf: {  	[dreg:$0x1] =	wrdreg $0xFFFFFFFF  }
0xc0: {  	_ =	task.clear_ibuf [dreg:s6], $0x2FFFF;
	_ =	strace $0x9FFFFFFF  }
0xc1: {  	(tm) =	ssettm $0x7FFFFFFF  }
tec
execute0_lowered:
.L_overlay_start_1:
0x0: {  	(tag) =	ssettag $0x1  }
0x1: {  	s0 =	srdreg.scid;
	s5 =	rddreg [dreg:$0x0]  }
0x2: {  	s1 =	stileid.u32;
	s6 =	simm.s32 $0x1;
	s9 =	simm.s32 $0x1  }
0x3: {  	s10 =	simm.s32 $0x3;
	s13 =	simm.s32 $0x0;
	s2 =	sshll.u32 s0, $0x8  }
0x4: {  	s12 =	simm.s32 $0x0;
	s3 =	sshll.u32 s1, $0x9;
	s2 =	sand.u32 $0x100, s2  }
0x5: {  	s0 =	rddreg [dreg:$0x1];
	_ =	strace $0x80000047;
	s2 =	sor.u32 s3, s2  }
0x6: {  	s4 =	sadd.s32 $0x11A00, s5;
	[sflag:s6] =	ssyncpa.u1 $0x0;
	s8 =	ssub.s32 $0x4000, s2  }
.Ltmp0:
0x7: {  	s3 =	sadd.s32 $0x12200, s5;
	s7 =	sand.u32 $0x1F00, s8;
	(pc) =	sbr.rel .LBB2_1-.Ltmp0, $4  }
0x8: {  	s5 =	sadd.s32 $0x32200, s5;
	s11 =	smov.u32 s2;
	p0 =	sne.s32 s7, $0x0  }
0x9: {  	s8 =	sshrl.u32 s8, $0xD;
	s7 =	simm.s32 $0x2;
	s9 =	simm.s32 @!p0 $0x0  }
0xa: {  	[sflag:s7] =	ssyncpa.u1 $0x0;
	p0 =	por $0x0, $0x0;
	s8 =	sadd.s32 s9, s8  }
0xb: {  	vm0 =	vmmov $0xffff;
	[sflag:s10] =	ssyncpa.u1 $0x0;
	s10 =	simm.s32 $0x0;
	s9 =	sadd.s32 $0x1, s8  }
.LBB2_4:
0xc: {  	vm1 =	veq.s32 v0, $0x80000000;
	v63 =	vand.u32 $0x3FFF, v0;
	v2 =	vand.u32 $0x3F, v2  }
0xd: {  	v0 =	vsel vm1, $0xFFFFFFFF, v63;
	v2 =	vsel vm1, $0xFFFFFFFF, v2  }
0xe: {  	v3 =	vshll.u32 v2, $0xE;
	v4 =	vshll.u32 v0, $0x3  }
0xf: {  	v2 =	vshll.u32 v2, $0x7;
	v3 =	vand.u32 $0xFFFE0000, v3;
	v4 =	vand.u32 $0xFFFFFC00, v4  }
0x10: {  	v2 =	vand.u32 $0x380, v2;
	v3 =	vadd.s32 v4, v3  }
0x11: {  	v0 =	vand.u32 $0x7F, v0;
	v2 =	vor.u32 v2, v3  }
0x12: {  	v0 =	vor.u32 v0, v2;
	_ =	sdelay $0x1  }
0x13: {  	(ifvalue) =	ssetifvalue $0x7FFFFFFF;
	s14 =	sadd.s32 $0x10, s14  }
0x14: {  	[tilespmem:s14], [sflag:$0x1] =	stream.indirect_vreg.gather [hbm4b:s3+s10], $0x1, v1, vm0, $0x4038;
	[tilespmem:$0x400] =	vst v63  }
0x15: {  	(ifvalue) =	ssetifvalue $0x7FFFFFFF;
	s14 =	sadd.s32 $0x10, s14  }
0x16: {  	[tilespmem:s14], [sflag:$0x1] =	stream.indirect_vreg.gather [hbm4b:s3+s10], $0x1, v0, vm0, $0x4038;
	[tilespmem:$0x400] =	vst v63  }
0x17: {  	_ =	swait.ge [sflag:s6], $0x100  }
0x18: {  	s30 =	sshrl.u32 s13, $0x3;
	[sflag:s6] =	ssyncset.done $0x0  }
0x19: {  	s31 =	sand.u32 $0x7, s13;
	s14 =	sadd.s32 s5, s30;
	[sflag:s6] =	ssyncadd.s32 $0xFFFFFF00  }
0x1a: {  	[hbm4b:s14+s31] =	stream.linear.scatter [tilespmem:s15], [sflag:$0x3], $0x100, $0x38;
	[tilespmem:$0x400] =	vst v63  }
.LBB2_5:
0x1b: {  	s15 =	sadd.s32 $0x2000, s11  }
0x1c: {  	p2 =	sgt.s32 s15, $0x3FFF  }
0x1d: {  	s15 =	smov.u32 @p2 s2;
	p2 =	sne.s32 s12, s9  }
.Ltmp1:
0x1e: {  	p1 =	slt.u32 s12, $0x2;
	(pc) =	sbr.rel @!p2 .LBB2_6-.Ltmp1, $4  }
0x1f: {  	s14 =	simm.s32 @!p1 $0x3  }
0x20: {  	s16 =	sadd.s32 $0x1, s12;
	_ =	swait.ge @!p1 [sflag:s14], $0x100  }
0x21: {  	s13 =	smov.u32 s11;
	p0 =	por !p0, !p0;
	[sflag:s14] =	ssyncset.done @!p1 $0x0  }
0x22: {  	s12 =	smov.u32 s16;
	s11 =	smov.u32 s15;
	[sflag:s14] =	ssyncadd.s32 @!p1 $0xFFFFFF00  }
.LBB2_1:
0x23: {  	p1 =	sge.u32 s12, s8  }
0x24: {  	s14 =	sxor.u32 @!p1 $0xFFFFFFFF, s12  }
0x25: {  	s31 =	sadd.s32 $0xFFFFFFFF, s12;
	s15 =	sshrl.u32 @!p1 s11, $0x3;
	s14 =	sshll.u32 @!p1 s14, $0x8  }
0x26: {  	s16 =	sand.u32 @!p1 $0x7, s11;
	s15 =	sadd.s32 @!p1 s4, s15;
	s14 =	sand.u32 @!p1 $0x100, s14  }
0x27: {  	[tilespmem:s14], [sflag:$0x2] =	stream.linear.gather @!p1 [hbm4b:s15+s16], $0x100, $0x38;
	[tilespmem:$0x400] =	vst v63  }
0x28: {  	p1 =	sge.u32 s31, s8  }
.Ltmp2:
0x29: {  	_ = 	snop;
	(pc) =	sbr.rel @p1 .LBB2_5-.Ltmp2, $1  }
0x2a: {  	_ =	sdelay $0x3  }
0x2b: {  	s14 =	simm.s32 $0x1  }
0x2c: {  	_ =	swait.ge [sflag:s7], $0x100;
	s14 =	simm.s32 @!p0 $0x0  }
0x2d: {  	[sflag:s7] =	ssyncset.done $0x0;
	s14 =	sshll.u32 s14, $0x8  }
0x2e: {  	[sflag:s7] =	ssyncadd.s32 $0xFFFFFF00;
	(ifvalue) =	ssetifvalue $0x7FFFFFFF;
	v0 =	vld.msk [tilespmem:s14+$0x0 ss:$0x1], $0xffff;
	_ =	sdelay $0x4  }
0x2f: {  	s15 =	sadd.s32 $0x10, s14;
	v1 =	vshrl.u32 v0, $0xE  }
0x30: {  	v2 =	vld.msk [tilespmem:s15+$0x0 ss:$0x1], $0xffff;
	vm1 =	veq.s32 v0, $0x80000000;
	v0 =	vand.u32 $0x3FFF, v0;
	v1 =	vand.u32 $0x3F, v1  }
0x31: {  	v0 =	vsel vm1, $0xFFFFFFFF, v0;
	v1 =	vsel vm1, $0xFFFFFFFF, v1  }
0x32: {  	v4 =	vshll.u32 v0, $0x3;
	v3 =	vshll.u32 v1, $0xE  }
0x33: {  	v4 =	vand.u32 $0xFFFFFC00, v4;
	v1 =	vshll.u32 v1, $0x7;
	v3 =	vand.u32 $0xFFFE0000, v3  }
0x34: {  	v0 =	vand.u32 $0x7F, v0;
	v1 =	vand.u32 $0x380, v1;
	v3 =	vadd.s32 v4, v3  }
0x35: {  	vm1 =	veq.s32 v2, $0x80000000;
	v1 =	vor.u32 v1, v3;
	v3 =	vshrl.u32 v2, $0xE  }
0x36: {  	s17 =	sadd.s32 $0x10, s15;
	v2 =	vand.u32 $0x3FFF, v2;
	v1 =	vor.u32 v0, v1;
	v3 =	vand.u32 $0x3F, v3  }
0x37: {  	v0 =	vld.msk [tilespmem:s17+$0x0 ss:$0x1], $0xffff;
	v2 =	vsel vm1, $0xFFFFFFFF, v2;
	v3 =	vsel vm1, $0xFFFFFFFF, v3  }
0x38: {  	v5 =	vshll.u32 v2, $0x3;
	v63 =	vshll.u32 v3, $0xE  }
0x39: {  	s31 =	sshll.u32 s12, $0x8;
	v5 =	vand.u32 $0xFFFFFC00, v5;
	v3 =	vshll.u32 v3, $0x7;
	v4 =	vand.u32 $0xFFFE0000, v63  }
0x3a: {  	s14 =	sor.u32 $0x200, s14;
	s15 =	sand.u32 $0x100, s31;
	(ifvalue) =	ssetifvalue $0x7FFFFFFF;
	v3 =	vand.u32 $0x380, v3;
	v4 =	vadd.s32 v5, v4  }
0x3b: {  	[tilespmem:s14], [sflag:$0x1] =	stream.indirect_vreg.gather [hbm4b:s3+s10], $0x1, v1, vm0, $0x4038;
	v1 =	vand.u32 $0x7F, v2;
	v3 =	vor.u32 v3, v4;
	[tilespmem:$0x400] =	vst v63  }
0x3c: {  	s16 =	simm.s32 $0x20;
	s15 =	sor.u32 $0x200, s15;
	s17 =	sadd.s32 $0x10, s17;
	v2 =	vshrl.u32 v0, $0xE;
	v1 =	vor.u32 v1, v3  }
.LBB2_3:
0x3d: {  	s16 =	sadd.s32 $0x10, s16;
	vm1 =	veq.s32 v0, $0x80000000;
	v3 =	vand.u32 $0x3FFF, v0;
	v0 =	vld.msk [tilespmem:s17+$0x0 ss:$0x1], $0xffff;
	v2 =	vand.u32 $0x3F, v2  }
0x3e: {  	p1 =	slt.u32 s16, $0xF0;
	v3 =	vsel vm1, $0xFFFFFFFF, v3;
	v2 =	vsel vm1, $0xFFFFFFFF, v2  }
.Ltmp3:
0x3f: {  	v4 =	vshll.u32 v2, $0xE;
	v5 =	vshll.u32 v3, $0x3;
	(pc) =	sbr.rel @p1 .LBB2_3-.Ltmp3, $4  }
0x40: {  	s14 =	sadd.s32 $0x10, s14;
	v2 =	vshll.u32 v2, $0x7;
	v4 =	vand.u32 $0xFFFE0000, v4;
	v5 =	vand.u32 $0xFFFFFC00, v5;
	(ifvalue) =	ssetifvalue $0x7FFFFFFF  }
0x41: {  	v2 =	vand.u32 $0x380, v2;
	v4 =	vadd.s32 v5, v4;
	[tilespmem:s14], [sflag:$0x1] =	stream.indirect_vreg.gather [hbm4b:s3+s10], $0x1, v1, vm0, $0x4038;
	[tilespmem:$0x400] =	vst v63  }
0x42: {  	v1 =	vand.u32 $0x7F, v3;
	v3 =	vor.u32 v2, v4  }
0x43: {  	s17 =	sadd.s32 $0x10, s17;
	v2 =	vshrl.u32 v0, $0xE;
	v1 =	vor.u32 v1, v3  }
.Ltmp4:
0x44: {  	_ = 	snop;
	(pc) =	sbr.rel .LBB2_4-.Ltmp4, $1  }
0x45: {  	_ =	sdelay $0x3  }
.LBB2_6:
0x46: {  	_ =	sfence.sel $0x180000  }
0x47: {  	s2 =	simm.s32 $0x2;
	[bflag:$0x0] =	sbarrier.arrive $0xFFFF  }
0x48: {  	s30 =	simm.s32 $0x3;
	[sflag:s2] =	ssyncpa.u1 $0x1  }
0x49: {  	s31 =	simm.s32 $0x1;
	[sflag:s30] =	ssyncpa.u1 $0x1  }
0x4a: {  	[sflag:s31] =	ssyncpa.u1 $0x1  }
0x4b: {  	p0 =	sne.s32 s1, $0x0;
	_ =	strace $0x90000047  }
0x4c: {  	s0 =	sadd.s32 @!p0 $0x100000, s0;
	[bflag:$0x2] =	sbarrier.arrive $0xFFFF  }
0x4d: {  	[sflag:s0] =	ssyncadd.tile.s32 @!p0 $0x1;
	_ =	shalt  }
.Lfunc_end2:
_tile_overlayer_lowered:
.L_overlay_start_2:
0x4e: {  	(tag) =	ssettag $0x2  }
0x4f: {  	s0 =	rddreg [dreg:$0x0];
	s2 =	stileid.u32  }
0x50: {  	s1 =	rddreg [dreg:$0x1];
	p0 =	sne.s32 s2, $0x0  }
0x51: {  	s3 =	rddreg [dreg:$0x2];
	[bflag:$0x3] =	sbarrier.arrive $0xFFFF;
	s2 =	simm.s32 @!p0 $0x1C01  }
0x52: {  	[timem:s3], [sflag:s2] =	dma.local @!p0 [hbm:s0], s1  }
0x53: {  	s0 =	simm.s32 @!p0 $0x1  }
0x54: {  	_ =	swait.ge @!p0 [sflag:s0], s1  }
0x55: {  	s1 =	ssub.s32 @!p0 $0x0, s1;
	[sflag:s0] =	ssyncset.done @!p0 $0x0  }
0x56: {  	[sflag:s0] =	ssyncadd.s32 @!p0 s1  }
0x57: {  	[bflag:$0x3] =	sbarrier.arrive $0xFFFF  }
0x58: {  	_ =	shalt  }

// kernel: kernel.10.cloned.1.call-start
scs
__scs_entry_jumppad:
0x0: {  	(pc) =	sbr.rel $0x88, $3  }
0x1: {  	(tag) =	ssettag $0x0;
	lr =	simm.s32 $0x1  }
0x2: {  	[smem:$0x3F9B] =	sst lr;
	_ =	strace $0xD0000000  }
0x3: {  	_ = 	snop  }
0x4: {  	_ = 	snop  }
0x5: {  	_ = 	snop  }
0x6: {  	_ = 	snop  }
0x7: {  	_ = 	snop  }
__scs_overlays_trampoline_lowered:
0x8: {  	[smem:$0x3FAA] =	sst s0  }
0x9: {  	[smem:$0x3FAB] =	sst s1  }
0xa: {  	[smem:$0x3FAC] =	sst s2  }
0xb: {  	[smem:$0x3FAD] =	sst s3  }
0xc: {  	[smem:$0x3FAE] =	sst s4  }
0xd: {  	[smem:$0x3FAF] =	sst s5  }
0xe: {  	[smem:$0x3FB0] =	sst s6  }
0xf: {  	[smem:$0x3FB1] =	sst s7  }
0x10: {  	[smem:$0x3FB2] =	sst s8  }
0x11: {  	[smem:$0x3FB3] =	sst s9;
	s0 =	simm.s32 @!p0 $0x0  }
0x12: {  	s1 =	sld [smem:$0x3F99];
	s0 =	simm.s32 @p0 $0x1  }
0x13: {  	[smem:$0x3FB4] =	sst s0;
	s0 =	simm.s32 @!p1 $0x0  }
0x14: {  	s2 =	sld [smem:$0x3F98];
	s0 =	simm.s32 @p1 $0x1  }
0x15: {  	[smem:$0x3FB5] =	sst s0;
	s0 =	simm.s32 @!p2 $0x0  }
0x16: {  	s3 =	sld [smem:$0x3FDB];
	s0 =	simm.s32 @p2 $0x1  }
0x17: {  	s4 =	simm.s32 $0x1BF5;
	[smem:$0x3FB7] =	sst s0  }
0x18: {  	s0 =	sld [smem:$0x3F9A];
	_ =	swait.ge [sflag:s4], $0x0  }
0x19: {  	s7 =	sld [smem:$0x3F9B]  }
0x1a: {  	s8 =	sadd.s32 $0xFFFFE003, lr  }
0x1b: {  	s9 =	sadd.s32 $0xFFFFFEF7, lr;
	s5 =	simm.s32 $0xFFFFFFFF;
	p2 =	slt.u32 s8, $0xFFFFF086  }
0x1c: {  	p1 =	slt.u32 s9, $0xF7A;
	s5 =	simm.s32 @!p2 $0x0  }
0x1d: {  	s5 =	simm.s32 @p1 $0x1;
	p0 =	seq.s32 s7, s2  }
0x1e: {  	s7 =	smul.u32 @!p0 $0xF7A, s2;
	p2 =	seq.s32 @!p0 s5, $0x0  }
0x1f: {  	s9 =	smul.u32 $0xF7A, s1;
	s8 =	simm.s32 @!p0 $0x1BF5;
	p2 =	por !p2, p0  }
0x20: {  	[sflag:s8] =	ssyncset.s32 @!p0 $0xFFFFF086;
	s6 =	sadd.s32 @!p0 s3, s7;
	s7 =	simm.s32 @!p0 $0x108  }
0x21: {  	s3 =	sadd.s32 s3, s9;
	s6 =	sadd.s32 @!p0 $0x88, s6;
	s7 =	simm.s32 @p2 $0x1082  }
0x22: {  	[simem:s7], [sflag:s8] =	dma.local @!p0 [hbm:s6], $0xF7A  }
0x23: {  	s9 =	sor.u32 $0xD0000000, s2;
	s6 =	simm.s32 $0x108;
	_ =	swait.ge @!p0 [sflag:s8], $0x0  }
0x24: {  	s3 =	sadd.s32 $0x88, s3;
	s6 =	simm.s32 @!p1 $0x1082;
	[sflag:s4] =	ssyncset.s32 $0xFFFFF086  }
0x25: {  	[simem:s6], [sflag:s4] =	dma.local [hbm:s3], $0xF7A  }
0x26: {  	[smem:$0x3F9B] =	sst s1;
	(tag) =	ssettag s2;
	_ =	strace s9  }
0x27: {  	s1 =	sld [smem:$0x3FAB]  }
0x28: {  	s2 =	sld [smem:$0x3FAC]  }
0x29: {  	s4 =	sld [smem:$0x3FAE]  }
0x2a: {  	p0 =	seq.s32 s5, $0x0;
	s5 =	sld [smem:$0x3FAF]  }
0x2b: {  	s6 =	sld [smem:$0x3FB0]  }
0x2c: {  	s7 =	sld [smem:$0x3FB1]  }
0x2d: {  	s3 =	simm.s32 $0x108;
	s8 =	sld [smem:$0x3FB2]  }
0x2e: {  	s3 =	simm.s32 @!p0 $0x1082;
	s9 =	sld [smem:$0x3FB3]  }
0x2f: {  	lr =	sadd.s32 s0, s3;
	s0 =	sld [smem:$0x3FAA]  }
0x30: {  	s3 =	sld [smem:$0x3FAD]  }
0x31: {  	[smem:$0x3FB6] =	sst s10  }
0x32: {  	s10 =	sld [smem:$0x3FB4];
	_ =	sdelay $0x3  }
0x33: {  	p0 =	seq.s32 s10, $0x1;
	s10 =	sld [smem:$0x3FB6];
	_ =	sdelay $0x3  }
0x34: {  	[smem:$0x3FB6] =	sst s10  }
0x35: {  	s10 =	sld [smem:$0x3FB5];
	_ =	sdelay $0x3  }
0x36: {  	p1 =	seq.s32 s10, $0x1;
	s10 =	sld [smem:$0x3FB6];
	_ =	sdelay $0x3  }
0x37: {  	[smem:$0x3FB6] =	sst s10  }
0x38: {  	s10 =	sld [smem:$0x3FB7]  }
0x39: {  	_ = 	snop;
	(pc) =	sbr.ind lr, $3  }
0x3a: {  	_ = 	snop  }
0x3b: {  	_ = 	snop  }
0x3c: {  	p2 =	seq.s32 s10, $0x1;
	s10 =	sld [smem:$0x3FB6]  }
0x3d: {  	_ =	shalt  }
0x3e: {  	_ =	shalt  }
0x3f: {  	_ =	shalt  }
0x40: {  	_ =	shalt  }
0x41: {  	_ =	shalt  }
0x42: {  	_ =	shalt  }
0x43: {  	_ =	shalt  }
0x44: {  	_ =	shalt  }
0x45: {  	_ =	shalt  }
0x46: {  	_ =	shalt  }
0x47: {  	_ =	shalt  }
0x48: {  	_ =	shalt  }
0x49: {  	_ =	shalt  }
0x4a: {  	_ =	shalt  }
0x4b: {  	_ =	shalt  }
0x4c: {  	_ =	shalt  }
0x4d: {  	_ =	shalt  }
0x4e: {  	_ =	shalt  }
0x4f: {  	_ =	shalt  }
0x50: {  	_ =	shalt  }
0x51: {  	_ =	shalt  }
0x52: {  	_ =	shalt  }
0x53: {  	_ =	shalt  }
0x54: {  	_ =	shalt  }
0x55: {  	_ =	shalt  }
0x56: {  	_ =	shalt  }
0x57: {  	_ =	shalt  }
0x58: {  	_ =	shalt  }
0x59: {  	_ =	shalt  }
0x5a: {  	_ =	shalt  }
0x5b: {  	_ =	shalt  }
0x5c: {  	_ =	shalt  }
0x5d: {  	_ =	shalt  }
0x5e: {  	_ =	shalt  }
0x5f: {  	_ =	shalt  }
0x60: {  	_ =	shalt  }
0x61: {  	_ =	shalt  }
0x62: {  	_ =	shalt  }
0x63: {  	_ =	shalt  }
0x64: {  	_ =	shalt  }
0x65: {  	_ =	shalt  }
0x66: {  	_ =	shalt  }
0x67: {  	_ =	shalt  }
0x68: {  	_ =	shalt  }
0x69: {  	_ =	shalt  }
0x6a: {  	_ =	shalt  }
0x6b: {  	_ =	shalt  }
0x6c: {  	_ =	shalt  }
0x6d: {  	_ =	shalt  }
0x6e: {  	_ =	shalt  }
0x6f: {  	_ =	shalt  }
0x70: {  	_ =	shalt  }
0x71: {  	_ =	shalt  }
0x72: {  	_ =	shalt  }
0x73: {  	_ =	shalt  }
0x74: {  	_ =	shalt  }
0x75: {  	_ =	shalt  }
0x76: {  	_ =	shalt  }
0x77: {  	_ =	shalt  }
0x78: {  	_ =	shalt  }
0x79: {  	_ =	shalt  }
0x7a: {  	_ =	shalt  }
0x7b: {  	_ =	shalt  }
0x7c: {  	_ =	shalt  }
0x7d: {  	_ =	shalt  }
0x7e: {  	_ =	shalt  }
0x7f: {  	_ =	shalt  }
0x80: {  	_ =	shalt  }
0x81: {  	_ =	shalt  }
0x82: {  	_ =	shalt  }
0x83: {  	_ =	shalt  }
0x84: {  	_ =	shalt  }
0x85: {  	_ =	shalt  }
0x86: {  	_ =	shalt  }
0x87: {  	_ =	shalt  }
.Lfunc_end0:
.L_simem_size_0:
called_computation.3_lowered:
.L_overlay_start_0:
0x88: {  	s2 =	sld [smem:$0x3FD9]  }
0x89: {  	s3 =	sld [smem:$0x3FFE];
	_ =	sdelay $0x1  }
0x8a: {  	s1 =	srdreg.scid  }
0x8b: {  	s0 =	sand.u32 $0x1, s1  }
0x8c: {  	s16 =	sshll.u32 s0, $0xA;
	s2 =	sadd.s32 s3, s2  }
0x8d: {  	s2 =	sadd.s32 s2, s16  }
0x8e: {  	[smem:$0x3FC2] =	sst s2  }
0x8f: {  	_ = 	snop  }
0x90: {  	(tm) =	ssettm $0x1  }
0x91: {  	s17 =	sld [smem:$0x3FFB];
	_ =	sdelay $0x3  }
0x92: {  	_ =	strace s17  }
0x93: {  	s2 =	sld [smem:$0x3FFC];
	_ =	sdelay $0x3  }
0x94: {  	_ =	strace s2  }
0x95: {  	s2 =	sld [smem:$0x3FFD];
	_ =	sdelay $0x3  }
0x96: {  	_ =	strace s2  }
0x97: {  	_ =	strace $0x8FFFFFFF  }
0x98: {  	s18 =	sld [smem:$0x3FDB];
	_ =	sdelay $0x1  }
0x99: {  	s19 =	simm.s32 $_scs_section_size  }
0x9a: {  	s4 =	simm.s32 $_size__tile_overlayer_lowered;
	s5 =	simm.s32 $_tile_overlayer_lowered  }
0x9b: {  	s22 =	simm.s32 $0x1BFF;
	s21 =	sshll.u32 s5, $0x1;
	s2 =	sadd.s32 s19, s18  }
0x9c: {  	s6 =	simm.s32 $0x0;
	s20 =	sshll.u32 s4, $0x1;
	s4 =	sadd.s32 s21, s2  }
0x9d: {  	[timem:s6], [sflag:s22] =	dma.local [hbm:s4], s20  }
0x9e: {  	_ =	swait.ge [sflag:s22], s20  }
0x9f: {  	s3 =	ssub.s32 $0x0, s20;
	[sflag:s22] =	ssyncset.done $0x0  }
0xa0: {  	[sflag:s22] =	ssyncadd.s32 s3;
	_ =	sdelay $0x1  }
0xa1: {  	s23 =	simm.s32 $0x1B8B  }
0xa2: {  	_ =	swait.ge [sflag:s23], $0x1  }
0xa3: {  	[sflag:s23] =	ssyncset.done $0x0  }
0xa4: {  	s25 =	simm.s32 $0x1B8E;
	s24 =	sld [smem:$0x3FFE];
	[sflag:s23] =	ssyncadd.s32 $0xFFFFFFFF  }
0xa5: {  	s26 =	simm.s32 $execute0_lowered;
	[smem:$0x3FD2] =	sst s25  }
0xa6: {  	s4 =	sshll.u32 s26, $0x1;
	_ =	strace $0x8000004F;
	[dreg:$0x1] =	wrdreg $0xFFFFFFFF  }
0xa7: {  	s28 =	simm.s32 $_size_execute0_lowered;
	s2 =	sadd.s32 s2, s4;
	[dreg:$0x0] =	wrdreg $0x0  }
0xa8: {  	s4 =	sshll.u32 s28, $0x1;
	[dreg:$0x2] =	wrdreg s2  }
0xa9: {  	[dreg:$0x3] =	wrdreg s4  }
0xaa: {  	[dreg:$0x4] =	wrdreg $0xC0  }
0xab: {  	_ =	task [dreg:s6], $0x5FFFF  }
0xac: {  	[dreg:$0x1] =	wrdreg $0xFFFFFFFF  }
0xad: {  	[dreg:$0x0] =	wrdreg $0x60  }
0xae: {  	[dreg:$0x2] =	wrdreg s24  }
0xaf: {  	[dreg:$0x3] =	wrdreg $0x9  }
0xb0: {  	_ =	task.clear_ibuf [dreg:s6], $0x4FFFF;
	_ =	strace $0x9000004F  }
0xb1: {  	s29 =	simm.s32 $0x9;
	_ =	strace $0x80000051  }
0xb2: {  	_ =	swait.ge [sflag:s29], $0x1  }
0xb3: {  	[sflag:s29] =	ssyncadd.s32 $0xFFFFFFFF  }
0xb4: {  	_ =	strace $0x90000051  }
0xb5: {  	_ =	sfence  }
0xb6: {  	s30 =	sld [smem:$0x0];
	_ =	sdelay $0x2  }
0xb7: {  	s31 =	sshll.u32 s1, $0xD;
	s1 =	sshrl.u32 s1, $0x2  }
0xb8: {  	s3 =	sand.u32 $0x4000, s31;
	s1 =	sadd.s32 s1, s30  }
0xb9: {  	s0 =	sor.u32 s3, s0;
	s1 =	sshll.u32 s1, $0x11  }
0xba: {  	s0 =	sor.u32 s1, s0  }
0xbb: {  	s0 =	sadd.s32 $0x8F2B, s0  }
0xbc: {  	[sflag:s0] =	ssyncadd.remote.s32 $0x1  }
0xbd: {  	_ =	sfence.sel $0xFFFF  }
0xbe: {  	[dreg:$0x0] =	wrdreg $0xFFFFFFFF;
	(pc) =	sbr.abs _section_cstart, $3  }
0xbf: {  	[dreg:$0x1] =	wrdreg $0xFFFFFFFF  }
0xc0: {  	_ =	task.clear_ibuf [dreg:s6], $0x2FFFF;
	_ =	strace $0x9FFFFFFF  }
0xc1: {  	(tm) =	ssettm $0x7FFFFFFF  }
tec
execute0_lowered:
.L_overlay_start_1:
0x0: {  	(tag) =	ssettag $0x1  }
0x1: {  	s0 =	srdreg.scid;
	s5 =	stileid.u32  }
0x2: {  	s1 =	rddreg [dreg:$0x0];
	s2 =	simm.s32 $0x0;
	s14 =	simm.s32 $0x880  }
0x3: {  	s16 =	simm.s32 $0x1080;
	s17 =	simm.s32 $0x1880;
	s18 =	simm.s32 $0x2080  }
0x4: {  	s19 =	simm.s32 $0x2880;
	s9 =	simm.s32 $0x3080;
	[smem:$0x7FF] =	sst s2  }
0x5: {  	s20 =	simm.s32 $0x3880;
	_ =	strace $0x80000050;
	[dreg:$0x3] =	wrdreg s14  }
0x6: {  	s21 =	simm.s32 $0x4080;
	s22 =	simm.s32 $0x4880;
	[dreg:$0x4] =	wrdreg s16  }
0x7: {  	s23 =	simm.s32 $0x5080;
	s24 =	simm.s32 $0x5880;
	[dreg:$0x5] =	wrdreg s17  }
0x8: {  	s25 =	simm.s32 $0x6080;
	s10 =	simm.s32 $0x80;
	[dreg:$0x6] =	wrdreg s18  }
0x9: {  	s26 =	simm.s32 $0x6880;
	s11 =	simm.s32 $0x7080;
	[dreg:$0x7] =	wrdreg s19  }
0xa: {  	s12 =	simm.s32 $0x7880;
	s28 =	simm.s32 $0xF080;
	[dreg:$0x8] =	wrdreg s9  }
0xb: {  	s29 =	simm.s32 $0xF880;
	s30 =	simm.s32 $0x1;
	[dreg:$0x9] =	wrdreg s20  }
0xc: {  	s31 =	simm.s32 $0x0;
	s0 =	sand.u32 $0x1, s0;
	[dreg:$0xa] =	wrdreg s21  }
0xd: {  	s3 =	sshll.u32 s5, $0xA;
	s5 =	sshll.u32 s5, $0x11;
	[dreg:$0xb] =	wrdreg s22  }
0xe: {  	s4 =	sshll.u32 s0, $0x9;
	s8 =	sadd.s32 s5, s1;
	[dreg:$0xc] =	wrdreg s23  }
0xf: {  	s15 =	ssub.s32 $0x2, s0;
	s5 =	sadd.s32 $0x412400, s1;
	[dreg:$0xd] =	wrdreg s24  }
0x10: {  	s0 =	sshll.u32 s0, $0x10;
	s9 =	simm.s32 $0x2;
	[dreg:$0xe] =	wrdreg s25  }
0x11: {  	[dreg:$0xf] =	wrdreg s26;
	s14 =	simm.s32 $0x8880;
	s16 =	simm.s32 $0x9880  }
0x12: {  	s17 =	simm.s32 $0xA080;
	s18 =	simm.s32 $0xA880;
	s19 =	simm.s32 $0xB080  }
0x13: {  	s20 =	simm.s32 $0xB880;
	s21 =	simm.s32 $0xC080;
	s22 =	simm.s32 $0xC880  }
0x14: {  	s23 =	simm.s32 $0xD080;
	s24 =	simm.s32 $0xD880;
	s25 =	simm.s32 $0xE080  }
0x15: {  	s26 =	simm.s32 $0xE880;
	s3 =	sor.u32 s4, s3;
	s6 =	sshrl.u32 s15, $0x1  }
0x16: {  	s0 =	sadd.s32 s0, s8;
	s3 =	sshrl.u32 s3, $0x3;
	s7 =	ssub.s32 s15, s6  }
0x17: {  	s6 =	sadd.s32 $0x412500, s1;
	s0 =	sadd.s32 $0x12200, s0;
	s15 =	simm.s32 $0x9080  }
0x18: {  	v2 =	vlaneseq.u32;
	s13 =	sadd.s32 s3, s1;
	s7 =	smax.u32 s7, $0x1;
	[dreg:$0x11] =	wrdreg s0  }
0x19: {  	vm0 =	vmmov $0xffff;
	v1 =	vshrl.u32 v2, $0x3;
	s3 =	sadd.s32 $0x412200, s1;
	s4 =	sadd.s32 $0x11A00, s13;
	[dreg:$0x10] =	wrdreg s7  }
0x1a: {  	v0 =	vand.u32 $0x7, v2;
	v2 =	vor.u32 $0x8, v2;
	v1 =	vmul.u32 $0x8, v1;
	s13 =	simm.s32 $0x8080;
	[dreg:$0x2] =	wrdreg s4;
	s4 =	sadd.s32 $0x412300, s1  }
.LBB2_1:
0x1b: {  	s8 =	rddreg [dreg:$0x11];
	s0 =	simm.s32 $0x0  }
.LBB2_2:
0x1c: {  	s7 =	rddreg [dreg:$0x2]  }
0x1d: {  	s7 =	sadd.s32 s0, s7  }
0x1e: {  	[tilespmem:s2], [sflag:$0x2] =	stream.linear.gather [hbm4b:s7+s2], $0x40, $0x38;
	[tilespmem:$0x10080] =	vst v63  }
0x1f: {  	_ =	swait.ge [sflag:s9], $0x40  }
0x20: {  	[sflag:s9] =	ssyncset.done $0x0  }
0x21: {  	[sflag:s9] =	ssyncadd.s32 $0xFFFFFFC0  }
0x22: {  	v3 =	vld [tilespmem:$0x0];
	_ =	sdelay $0x4  }
0x23: {  	v4 =	vshll.u32 v3, $0x3  }
0x24: {  	v3 =	vand.u32 $0x7, v3;
	v4 =	vand.u32 $0xFFFFFFC0, v4  }
0x25: {  	v3 =	vor.u32 v3, v4  }
0x26: {  	v4 =	vperm.xlane v3, v0;
	_ =	sdelay $0x1  }
0x27: {  	v4 =	vadd.s32 v1, v4;
	_ =	sdelay $0x4  }
0x28: {  	[tilespmem:s10], [sflag:$0x1] =	stream.indirect_vreg.gather [hbm4b:s3+s2], $0x80, v4, vm0, $0xb8;
	[tilespmem:$0x10080] =	vst v63  }
0x29: {  	s7 =	rddreg [dreg:$0x3];
	v3 =	vperm.xlane v3, v2  }
0x2a: {  	[tilespmem:s7], [sflag:$0x1] =	stream.indirect_vreg.gather [hbm4b:s4+s2], $0x80, v4, vm0, $0xb8;
	[tilespmem:$0x10080] =	vst v63  }
0x2b: {  	s1 =	rddreg [dreg:$0x4];
	v3 =	vadd.s32 v1, v3  }
0x2c: {  	[tilespmem:s1], [sflag:$0x1] =	stream.indirect_vreg.gather [hbm4b:s5+s2], $0x80, v4, vm0, $0xb8;
	[tilespmem:$0x10080] =	vst v63  }
0x2d: {  	s7 =	rddreg [dreg:$0x5]  }
0x2e: {  	[tilespmem:s7], [sflag:$0x1] =	stream.indirect_vreg.gather [hbm4b:s6+s2], $0x80, v4, vm0, $0xb8;
	[tilespmem:$0x10080] =	vst v63  }
0x2f: {  	s1 =	rddreg [dreg:$0x6]  }
0x30: {  	[tilespmem:s1], [sflag:$0x1] =	stream.indirect_vreg.gather [hbm4b:s3+s2], $0x80, v3, vm0, $0xb8;
	[tilespmem:$0x10080] =	vst v63  }
0x31: {  	s7 =	rddreg [dreg:$0x7]  }
0x32: {  	[tilespmem:s7], [sflag:$0x1] =	stream.indirect_vreg.gather [hbm4b:s4+s2], $0x80, v3, vm0, $0xb8;
	[tilespmem:$0x10080] =	vst v63  }
0x33: {  	s1 =	rddreg [dreg:$0x8]  }
0x34: {  	[tilespmem:s1], [sflag:$0x1] =	stream.indirect_vreg.gather [hbm4b:s5+s2], $0x80, v3, vm0, $0xb8;
	[tilespmem:$0x10080] =	vst v63  }
0x35: {  	s7 =	rddreg [dreg:$0x9]  }
0x36: {  	[tilespmem:s7], [sflag:$0x1] =	stream.indirect_vreg.gather [hbm4b:s6+s2], $0x80, v3, vm0, $0xb8;
	[tilespmem:$0x10080] =	vst v63  }
0x37: {  	v3 =	vld [tilespmem:$0x10];
	_ =	sdelay $0x4  }
0x38: {  	v61 =	vshll.u32 v3, $0x3  }
0x39: {  	v3 =	vand.u32 $0x7, v3;
	v4 =	vand.u32 $0xFFFFFFC0, v61  }
0x3a: {  	v3 =	vor.u32 v3, v4  }
0x3b: {  	v4 =	vperm.xlane v3, v0;
	_ =	sdelay $0x1  }
0x3c: {  	v4 =	vadd.s32 v1, v4;
	_ =	sdelay $0x3  }
0x3d: {  	s1 =	rddreg [dreg:$0xa]  }
0x3e: {  	[tilespmem:s1], [sflag:$0x1] =	stream.indirect_vreg.gather [hbm4b:s3+s2], $0x80, v4, vm0, $0xb8;
	[tilespmem:$0x10080] =	vst v63  }
0x3f: {  	s7 =	rddreg [dreg:$0xb];
	v3 =	vperm.xlane v3, v2  }
0x40: {  	[tilespmem:s7], [sflag:$0x1] =	stream.indirect_vreg.gather [hbm4b:s4+s2], $0x80, v4, vm0, $0xb8;
	[tilespmem:$0x10080] =	vst v63  }
0x41: {  	v3 =	vadd.s32 v1, v3;
	s1 =	rddreg [dreg:$0xc]  }
0x42: {  	[tilespmem:s1], [sflag:$0x1] =	stream.indirect_vreg.gather [hbm4b:s5+s2], $0x80, v4, vm0, $0xb8;
	[tilespmem:$0x10080] =	vst v63  }
0x43: {  	s7 =	rddreg [dreg:$0xd]  }
0x44: {  	[tilespmem:s7], [sflag:$0x1] =	stream.indirect_vreg.gather [hbm4b:s6+s2], $0x80, v4, vm0, $0xb8;
	[tilespmem:$0x10080] =	vst v63  }
0x45: {  	s1 =	rddreg [dreg:$0xe]  }
0x46: {  	[tilespmem:s1], [sflag:$0x1] =	stream.indirect_vreg.gather [hbm4b:s3+s2], $0x80, v3, vm0, $0xb8;
	[tilespmem:$0x10080] =	vst v63  }
0x47: {  	s7 =	rddreg [dreg:$0xf]  }
0x48: {  	[tilespmem:s7], [sflag:$0x1] =	stream.indirect_vreg.gather [hbm4b:s4+s2], $0x80, v3, vm0, $0xb8;
	[tilespmem:$0x10080] =	vst v63  }
0x49: {  	_ = 	snop  }
0x4a: {  	[tilespmem:s11], [sflag:$0x1] =	stream.indirect_vreg.gather [hbm4b:s5+s2], $0x80, v3, vm0, $0xb8;
	[tilespmem:$0x10080] =	vst v63  }
0x4b: {  	_ = 	snop  }
0x4c: {  	[tilespmem:s12], [sflag:$0x1] =	stream.indirect_vreg.gather [hbm4b:s6+s2], $0x80, v3, vm0, $0xb8;
	[tilespmem:$0x10080] =	vst v63  }
0x4d: {  	v3 =	vld [tilespmem:$0x20];
	_ =	sdelay $0x4  }
0x4e: {  	v62 =	vshll.u32 v3, $0x3  }
0x4f: {  	v3 =	vand.u32 $0x7, v3;
	v4 =	vand.u32 $0xFFFFFFC0, v62  }
0x50: {  	v3 =	vor.u32 v3, v4  }
0x51: {  	v4 =	vperm.xlane v3, v0;
	_ =	sdelay $0x1  }
0x52: {  	v4 =	vadd.s32 v1, v4;
	_ =	sdelay $0x4  }
0x53: {  	[tilespmem:s13], [sflag:$0x1] =	stream.indirect_vreg.gather [hbm4b:s3+s2], $0x80, v4, vm0, $0xb8;
	[tilespmem:$0x10080] =	vst v63  }
0x54: {  	v3 =	vperm.xlane v3, v2  }
0x55: {  	[tilespmem:s14], [sflag:$0x1] =	stream.indirect_vreg.gather [hbm4b:s4+s2], $0x80, v4, vm0, $0xb8;
	[tilespmem:$0x10080] =	vst v63  }
0x56: {  	v3 =	vadd.s32 v1, v3  }
0x57: {  	[tilespmem:s15], [sflag:$0x1] =	stream.indirect_vreg.gather [hbm4b:s5+s2], $0x80, v4, vm0, $0xb8;
	[tilespmem:$0x10080] =	vst v63  }
0x58: {  	_ = 	snop  }
0x59: {  	[tilespmem:s16], [sflag:$0x1] =	stream.indirect_vreg.gather [hbm4b:s6+s2], $0x80, v4, vm0, $0xb8;
	[tilespmem:$0x10080] =	vst v63  }
0x5a: {  	_ = 	snop  }
0x5b: {  	[tilespmem:s17], [sflag:$0x1] =	stream.indirect_vreg.gather [hbm4b:s3+s2], $0x80, v3, vm0, $0xb8;
	[tilespmem:$0x10080] =	vst v63  }
0x5c: {  	_ = 	snop  }
0x5d: {  	[tilespmem:s18], [sflag:$0x1] =	stream.indirect_vreg.gather [hbm4b:s4+s2], $0x80, v3, vm0, $0xb8;
	[tilespmem:$0x10080] =	vst v63  }
0x5e: {  	_ = 	snop  }
0x5f: {  	[tilespmem:s19], [sflag:$0x1] =	stream.indirect_vreg.gather [hbm4b:s5+s2], $0x80, v3, vm0, $0xb8;
	[tilespmem:$0x10080] =	vst v63  }
0x60: {  	_ = 	snop  }
0x61: {  	[tilespmem:s20], [sflag:$0x1] =	stream.indirect_vreg.gather [hbm4b:s6+s2], $0x80, v3, vm0, $0xb8;
	[tilespmem:$0x10080] =	vst v63  }
0x62: {  	v3 =	vld [tilespmem:$0x30];
	_ =	sdelay $0x4  }
0x63: {  	v63 =	vshll.u32 v3, $0x3  }
0x64: {  	v3 =	vand.u32 $0x7, v3;
	v4 =	vand.u32 $0xFFFFFFC0, v63  }
0x65: {  	v3 =	vor.u32 v3, v4  }
0x66: {  	v4 =	vperm.xlane v3, v0;
	_ =	sdelay $0x1  }
0x67: {  	v4 =	vadd.s32 v1, v4;
	_ =	sdelay $0x4  }
0x68: {  	[tilespmem:s21], [sflag:$0x1] =	stream.indirect_vreg.gather [hbm4b:s3+s2], $0x80, v4, vm0, $0xb8;
	[tilespmem:$0x10080] =	vst v63  }
0x69: {  	v3 =	vperm.xlane v3, v2  }
0x6a: {  	[tilespmem:s22], [sflag:$0x1] =	stream.indirect_vreg.gather [hbm4b:s4+s2], $0x80, v4, vm0, $0xb8;
	[tilespmem:$0x10080] =	vst v63  }
0x6b: {  	v3 =	vadd.s32 v1, v3  }
0x6c: {  	[tilespmem:s23], [sflag:$0x1] =	stream.indirect_vreg.gather [hbm4b:s5+s2], $0x80, v4, vm0, $0xb8;
	[tilespmem:$0x10080] =	vst v63  }
0x6d: {  	_ = 	snop  }
0x6e: {  	[tilespmem:s24], [sflag:$0x1] =	stream.indirect_vreg.gather [hbm4b:s6+s2], $0x80, v4, vm0, $0xb8;
	[tilespmem:$0x10080] =	vst v63  }
0x6f: {  	_ = 	snop  }
0x70: {  	[tilespmem:s25], [sflag:$0x1] =	stream.indirect_vreg.gather [hbm4b:s3+s2], $0x80, v3, vm0, $0xb8;
	[tilespmem:$0x10080] =	vst v63  }
0x71: {  	_ = 	snop  }
0x72: {  	[tilespmem:s26], [sflag:$0x1] =	stream.indirect_vreg.gather [hbm4b:s4+s2], $0x80, v3, vm0, $0xb8;
	[tilespmem:$0x10080] =	vst v63  }
0x73: {  	_ = 	snop  }
0x74: {  	[tilespmem:s28], [sflag:$0x1] =	stream.indirect_vreg.gather [hbm4b:s5+s2], $0x80, v3, vm0, $0xb8;
	[tilespmem:$0x10080] =	vst v63  }
0x75: {  	_ = 	snop  }
0x76: {  	[tilespmem:s29], [sflag:$0x1] =	stream.indirect_vreg.gather [hbm4b:s6+s2], $0x80, v3, vm0, $0xb8;
	[tilespmem:$0x10080] =	vst v63  }
0x77: {  	_ =	swait.ge [sflag:s30], $0x10000  }
0x78: {  	p0 =	sne.s32 s0, $0x38;
	[sflag:s30] =	ssyncset.done $0x0  }
.Ltmp0:
0x79: {  	[sflag:s30] =	ssyncadd.s32 $0xFFFF0000;
	(pc) =	sbr.rel @p0 .LBB2_2-.Ltmp0, $4  }
0x7a: {  	[hbm4b:s8+s2] =	stream.linear.scatter [tilespmem:s10], [sflag:$0x2], $0x10000, $0x38;
	[tilespmem:$0x10080] =	vst v63  }
0x7b: {  	_ =	swait.ge [sflag:s9], $0x10000  }
0x7c: {  	[sflag:s9] =	ssyncset.done $0x0  }
0x7d: {  	s0 =	sadd.s32 $0x8, s0;
	s8 =	sadd.s32 $0x2000, s8;
	[sflag:s9] =	ssyncadd.s32 $0xFFFF0000  }
0x7e: {  	s31 =	sadd.s32 $0x1, s31;
	s0 =	rddreg [dreg:$0x10]  }
0x7f: {  	p0 =	sne.s32 s31, s0  }
.Ltmp1:
0x80: {  	_ = 	snop;
	(pc) =	sbr.rel @p0 .LBB2_1-.Ltmp1, $1  }
0x81: {  	_ =	sdelay $0x3  }
0x82: {  	_ =	sfence.sel $0x180000  }
0x83: {  	[bflag:$0x0] =	sbarrier.arrive $0xFFFF  }
0x84: {  	_ =	strace $0x90000050  }
0x85: {  	s0 =	stileid.u32;
	[bflag:$0x2] =	sbarrier.arrive $0xFFFF  }
0x86: {  	p0 =	sne.s32 s0, $0x0;
	s0 =	rddreg [dreg:$0x1]  }
0x87: {  	s0 =	sadd.s32 @!p0 $0x100000, s0  }
0x88: {  	[sflag:s0] =	ssyncadd.tile.s32 @!p0 $0x1;
	_ =	shalt  }
.Lfunc_end2:
_tile_overlayer_lowered:
.L_overlay_start_2:
0x89: {  	(tag) =	ssettag $0x2  }
0x8a: {  	s0 =	rddreg [dreg:$0x0];
	s2 =	stileid.u32  }
0x8b: {  	s1 =	rddreg [dreg:$0x1];
	p0 =	sne.s32 s2, $0x0  }
0x8c: {  	s3 =	rddreg [dreg:$0x2];
	[bflag:$0x3] =	sbarrier.arrive $0xFFFF;
	s2 =	simm.s32 @!p0 $0x1C02  }
0x8d: {  	[timem:s3], [sflag:s2] =	dma.local @!p0 [hbm:s0], s1  }
0x8e: {  	s0 =	simm.s32 @!p0 $0x2  }
0x8f: {  	_ =	swait.ge @!p0 [sflag:s0], s1  }
0x90: {  	s1 =	ssub.s32 @!p0 $0x0, s1;
	[sflag:s0] =	ssyncset.done @!p0 $0x0  }
0x91: {  	[sflag:s0] =	ssyncadd.s32 @!p0 s1  }
0x92: {  	[bflag:$0x3] =	sbarrier.arrive $0xFFFF  }
0x93: {  	_ =	shalt  }

// kernel: kernel.7.cloned.1.call-start
scs
__scs_entry_jumppad:
0x0: {  	(pc) =	sbr.rel $0x88, $3  }
0x1: {  	(tag) =	ssettag $0x0;
	lr =	simm.s32 $0x1  }
0x2: {  	[smem:$0x3F9B] =	sst lr;
	_ =	strace $0xD0000000  }
0x3: {  	_ = 	snop  }
0x4: {  	_ = 	snop  }
0x5: {  	_ = 	snop  }
0x6: {  	_ = 	snop  }
0x7: {  	_ = 	snop  }
__scs_overlays_trampoline_lowered:
0x8: {  	[smem:$0x3FAA] =	sst s0  }
0x9: {  	[smem:$0x3FAB] =	sst s1  }
0xa: {  	[smem:$0x3FAC] =	sst s2  }
0xb: {  	[smem:$0x3FAD] =	sst s3  }
0xc: {  	[smem:$0x3FAE] =	sst s4  }
0xd: {  	[smem:$0x3FAF] =	sst s5  }
0xe: {  	[smem:$0x3FB0] =	sst s6  }
0xf: {  	[smem:$0x3FB1] =	sst s7  }
0x10: {  	[smem:$0x3FB2] =	sst s8  }
0x11: {  	[smem:$0x3FB3] =	sst s9;
	s0 =	simm.s32 @!p0 $0x0  }
0x12: {  	s1 =	sld [smem:$0x3F99];
	s0 =	simm.s32 @p0 $0x1  }
0x13: {  	[smem:$0x3FB4] =	sst s0;
	s0 =	simm.s32 @!p1 $0x0  }
0x14: {  	s2 =	sld [smem:$0x3F98];
	s0 =	simm.s32 @p1 $0x1  }
0x15: {  	[smem:$0x3FB5] =	sst s0;
	s0 =	simm.s32 @!p2 $0x0  }
0x16: {  	s3 =	sld [smem:$0x3FDB];
	s0 =	simm.s32 @p2 $0x1  }
0x17: {  	s4 =	simm.s32 $0x1BF5;
	[smem:$0x3FB7] =	sst s0  }
0x18: {  	s0 =	sld [smem:$0x3F9A];
	_ =	swait.ge [sflag:s4], $0x0  }
0x19: {  	s7 =	sld [smem:$0x3F9B]  }
0x1a: {  	s8 =	sadd.s32 $0xFFFFE003, lr  }
0x1b: {  	s9 =	sadd.s32 $0xFFFFFEF7, lr;
	s5 =	simm.s32 $0xFFFFFFFF;
	p2 =	slt.u32 s8, $0xFFFFF086  }
0x1c: {  	p1 =	slt.u32 s9, $0xF7A;
	s5 =	simm.s32 @!p2 $0x0  }
0x1d: {  	s5 =	simm.s32 @p1 $0x1;
	p0 =	seq.s32 s7, s2  }
0x1e: {  	s7 =	smul.u32 @!p0 $0xF7A, s2;
	p2 =	seq.s32 @!p0 s5, $0x0  }
0x1f: {  	s9 =	smul.u32 $0xF7A, s1;
	s8 =	simm.s32 @!p0 $0x1BF5;
	p2 =	por !p2, p0  }
0x20: {  	[sflag:s8] =	ssyncset.s32 @!p0 $0xFFFFF086;
	s6 =	sadd.s32 @!p0 s3, s7;
	s7 =	simm.s32 @!p0 $0x108  }
0x21: {  	s3 =	sadd.s32 s3, s9;
	s6 =	sadd.s32 @!p0 $0x88, s6;
	s7 =	simm.s32 @p2 $0x1082  }
0x22: {  	[simem:s7], [sflag:s8] =	dma.local @!p0 [hbm:s6], $0xF7A  }
0x23: {  	s9 =	sor.u32 $0xD0000000, s2;
	s6 =	simm.s32 $0x108;
	_ =	swait.ge @!p0 [sflag:s8], $0x0  }
0x24: {  	s3 =	sadd.s32 $0x88, s3;
	s6 =	simm.s32 @!p1 $0x1082;
	[sflag:s4] =	ssyncset.s32 $0xFFFFF086  }
0x25: {  	[simem:s6], [sflag:s4] =	dma.local [hbm:s3], $0xF7A  }
0x26: {  	[smem:$0x3F9B] =	sst s1;
	(tag) =	ssettag s2;
	_ =	strace s9  }
0x27: {  	s1 =	sld [smem:$0x3FAB]  }
0x28: {  	s2 =	sld [smem:$0x3FAC]  }
0x29: {  	s4 =	sld [smem:$0x3FAE]  }
0x2a: {  	p0 =	seq.s32 s5, $0x0;
	s5 =	sld [smem:$0x3FAF]  }
0x2b: {  	s6 =	sld [smem:$0x3FB0]  }
0x2c: {  	s7 =	sld [smem:$0x3FB1]  }
0x2d: {  	s3 =	simm.s32 $0x108;
	s8 =	sld [smem:$0x3FB2]  }
0x2e: {  	s3 =	simm.s32 @!p0 $0x1082;
	s9 =	sld [smem:$0x3FB3]  }
0x2f: {  	lr =	sadd.s32 s0, s3;
	s0 =	sld [smem:$0x3FAA]  }
0x30: {  	s3 =	sld [smem:$0x3FAD]  }
0x31: {  	[smem:$0x3FB6] =	sst s10  }
0x32: {  	s10 =	sld [smem:$0x3FB4];
	_ =	sdelay $0x3  }
0x33: {  	p0 =	seq.s32 s10, $0x1;
	s10 =	sld [smem:$0x3FB6];
	_ =	sdelay $0x3  }
0x34: {  	[smem:$0x3FB6] =	sst s10  }
0x35: {  	s10 =	sld [smem:$0x3FB5];
	_ =	sdelay $0x3  }
0x36: {  	p1 =	seq.s32 s10, $0x1;
	s10 =	sld [smem:$0x3FB6];
	_ =	sdelay $0x3  }
0x37: {  	[smem:$0x3FB6] =	sst s10  }
0x38: {  	s10 =	sld [smem:$0x3FB7]  }
0x39: {  	_ = 	snop;
	(pc) =	sbr.ind lr, $3  }
0x3a: {  	_ = 	snop  }
0x3b: {  	_ = 	snop  }
0x3c: {  	p2 =	seq.s32 s10, $0x1;
	s10 =	sld [smem:$0x3FB6]  }
0x3d: {  	_ =	shalt  }
0x3e: {  	_ =	shalt  }
0x3f: {  	_ =	shalt  }
0x40: {  	_ =	shalt  }
0x41: {  	_ =	shalt  }
0x42: {  	_ =	shalt  }
0x43: {  	_ =	shalt  }
0x44: {  	_ =	shalt  }
0x45: {  	_ =	shalt  }
0x46: {  	_ =	shalt  }
0x47: {  	_ =	shalt  }
0x48: {  	_ =	shalt  }
0x49: {  	_ =	shalt  }
0x4a: {  	_ =	shalt  }
0x4b: {  	_ =	shalt  }
0x4c: {  	_ =	shalt  }
0x4d: {  	_ =	shalt  }
0x4e: {  	_ =	shalt  }
0x4f: {  	_ =	shalt  }
0x50: {  	_ =	shalt  }
0x51: {  	_ =	shalt  }
0x52: {  	_ =	shalt  }
0x53: {  	_ =	shalt  }
0x54: {  	_ =	shalt  }
0x55: {  	_ =	shalt  }
0x56: {  	_ =	shalt  }
0x57: {  	_ =	shalt  }
0x58: {  	_ =	shalt  }
0x59: {  	_ =	shalt  }
0x5a: {  	_ =	shalt  }
0x5b: {  	_ =	shalt  }
0x5c: {  	_ =	shalt  }
0x5d: {  	_ =	shalt  }
0x5e: {  	_ =	shalt  }
0x5f: {  	_ =	shalt  }
0x60: {  	_ =	shalt  }
0x61: {  	_ =	shalt  }
0x62: {  	_ =	shalt  }
0x63: {  	_ =	shalt  }
0x64: {  	_ =	shalt  }
0x65: {  	_ =	shalt  }
0x66: {  	_ =	shalt  }
0x67: {  	_ =	shalt  }
0x68: {  	_ =	shalt  }
0x69: {  	_ =	shalt  }
0x6a: {  	_ =	shalt  }
0x6b: {  	_ =	shalt  }
0x6c: {  	_ =	shalt  }
0x6d: {  	_ =	shalt  }
0x6e: {  	_ =	shalt  }
0x6f: {  	_ =	shalt  }
0x70: {  	_ =	shalt  }
0x71: {  	_ =	shalt  }
0x72: {  	_ =	shalt  }
0x73: {  	_ =	shalt  }
0x74: {  	_ =	shalt  }
0x75: {  	_ =	shalt  }
0x76: {  	_ =	shalt  }
0x77: {  	_ =	shalt  }
0x78: {  	_ =	shalt  }
0x79: {  	_ =	shalt  }
0x7a: {  	_ =	shalt  }
0x7b: {  	_ =	shalt  }
0x7c: {  	_ =	shalt  }
0x7d: {  	_ =	shalt  }
0x7e: {  	_ =	shalt  }
0x7f: {  	_ =	shalt  }
0x80: {  	_ =	shalt  }
0x81: {  	_ =	shalt  }
0x82: {  	_ =	shalt  }
0x83: {  	_ =	shalt  }
0x84: {  	_ =	shalt  }
0x85: {  	_ =	shalt  }
0x86: {  	_ =	shalt  }
0x87: {  	_ =	shalt  }
.Lfunc_end0:
.L_simem_size_0:
called_computation.2_lowered:
.L_overlay_start_0:
0x88: {  	s2 =	sld [smem:$0x3FD9]  }
0x89: {  	s3 =	sld [smem:$0x3FFE];
	_ =	sdelay $0x1  }
0x8a: {  	s1 =	srdreg.scid  }
0x8b: {  	s0 =	sand.u32 $0x1, s1  }
0x8c: {  	s17 =	sshll.u32 s0, $0xA;
	s2 =	sadd.s32 s3, s2  }
0x8d: {  	s2 =	sadd.s32 s2, s17  }
0x8e: {  	[smem:$0x3FC2] =	sst s2  }
0x8f: {  	_ = 	snop  }
0x90: {  	s18 =	sld [smem:$0x3FD0];
	(tm) =	ssettm $0x1  }
0x91: {  	s19 =	sld [smem:$0x3FFB];
	_ =	sdelay $0x3  }
0x92: {  	_ =	strace s19  }
0x93: {  	s2 =	sld [smem:$0x3FFC];
	_ =	sdelay $0x3  }
0x94: {  	_ =	strace s2  }
0x95: {  	s2 =	sld [smem:$0x3FFD];
	_ =	sdelay $0x3  }
0x96: {  	_ =	strace s2  }
0x97: {  	_ =	strace $0x8FFFFFFF  }
0x98: {  	s20 =	sld [smem:$0x3FDB];
	_ =	sdelay $0x1  }
0x99: {  	s4 =	simm.s32 $_scs_section_size  }
0x9a: {  	s5 =	simm.s32 $_size__tile_overlayer_lowered;
	s6 =	simm.s32 $_tile_overlayer_lowered  }
0x9b: {  	s7 =	simm.s32 $0x1BFF;
	s21 =	sshll.u32 s6, $0x1;
	s4 =	sadd.s32 s4, s20  }
0x9c: {  	s22 =	simm.s32 $0x0;
	s5 =	sshll.u32 s5, $0x1;
	s6 =	sadd.s32 s21, s4  }
0x9d: {  	[timem:s22], [sflag:s7] =	dma.local [hbm:s6], s5  }
0x9e: {  	_ =	swait.ge [sflag:s7], s5  }
0x9f: {  	s5 =	ssub.s32 $0x0, s5;
	[sflag:s7] =	ssyncset.done $0x0  }
0xa0: {  	[sflag:s7] =	ssyncadd.s32 s5;
	_ =	sdelay $0x1  }
0xa1: {  	s23 =	simm.s32 $0x1B8B  }
0xa2: {  	_ =	swait.ge [sflag:s23], $0x1  }
0xa3: {  	[sflag:s23] =	ssyncset.done $0x0  }
0xa4: {  	[sflag:s23] =	ssyncadd.s32 $0xFFFFFFFF  }
0xa5: {  	s5 =	sld [smem:$0x0]  }
0xa6: {  	s6 =	sand.u32 $0xFFFFFFFE, s1  }
0xa7: {  	p0 =	sne.s32 s1, s6  }
0xa8: {  	s6 =	sshll.u32 @p0 s6, $0xE  }
0xa9: {  	s6 =	sadd.s32 @p0 $0x11B8D, s6;
	s7 =	sshll.u32 @p0 s5, $0x11  }
0xaa: {  	s6 =	sor.u32 @p0 s7, s6  }
0xab: {  	[sflag:s6] =	ssyncadd.remote.s32 @p0 $0x1;
	_ =	sdelay $0x1  }
0xac: {  	s6 =	simm.s32 @p0 $0x1B8D  }
0xad: {  	_ =	swait.eq @p0 [sflag:s6], $0x1  }
0xae: {  	[sflag:s6] =	ssyncadd.s32 @p0 $0xFFFFFFFF  }
0xaf: {  	s7 =	sshll.u32 @!p0 s1, $0xE  }
0xb0: {  	s7 =	sor.u32 @!p0 $0x4000, s7;
	s6 =	simm.s32 @!p0 $0x1B8D  }
0xb1: {  	s5 =	sshll.u32 @!p0 s5, $0x11;
	s7 =	sadd.s32 @!p0 $0x11B8D, s7;
	_ =	swait.eq @!p0 [sflag:s6], $0x1  }
0xb2: {  	s5 =	sor.u32 @!p0 s5, s7;
	[sflag:s6] =	ssyncadd.s32 @!p0 $0xFFFFFFFF  }
0xb3: {  	s25 =	simm.s32 $0x1B8E;
	s24 =	sld [smem:$0x3FFE];
	[sflag:s5] =	ssyncadd.remote.s32 @!p0 $0x1  }
0xb4: {  	s26 =	simm.s32 $execute0_lowered;
	[smem:$0x3FD2] =	sst s25  }
0xb5: {  	s6 =	sshll.u32 s26, $0x1;
	_ =	strace $0x8000004C;
	[dreg:$0x1] =	wrdreg $0xFFFFFFFF  }
0xb6: {  	s28 =	simm.s32 $_size_execute0_lowered;
	s4 =	sadd.s32 s4, s6;
	[dreg:$0x0] =	wrdreg $0x0  }
0xb7: {  	s6 =	sshll.u32 s28, $0x1;
	[dreg:$0x2] =	wrdreg s4  }
0xb8: {  	[dreg:$0x3] =	wrdreg s6  }
0xb9: {  	[dreg:$0x4] =	wrdreg $0xC0  }
0xba: {  	_ =	task [dreg:s22], $0x5FFFF  }
0xbb: {  	[dreg:$0x1] =	wrdreg $0xFFFFFFFF  }
0xbc: {  	[dreg:$0x0] =	wrdreg $0x60  }
0xbd: {  	[dreg:$0x2] =	wrdreg s18  }
0xbe: {  	[dreg:$0x3] =	wrdreg s24  }
0xbf: {  	[dreg:$0x4] =	wrdreg $0xA  }
0xc0: {  	_ =	task.clear_ibuf [dreg:s22], $0x5FFFF;
	_ =	strace $0x9000004C  }
0xc1: {  	s29 =	simm.s32 $0xA;
	_ =	strace $0x8000004E  }
0xc2: {  	_ =	swait.ge [sflag:s29], $0x1  }
0xc3: {  	[sflag:s29] =	ssyncadd.s32 $0xFFFFFFFF  }
0xc4: {  	_ =	strace $0x9000004E  }
0xc5: {  	_ =	sfence  }
0xc6: {  	s30 =	sld [smem:$0x0];
	_ =	sdelay $0x2  }
0xc7: {  	s31 =	sshll.u32 s1, $0xD;
	s1 =	sshrl.u32 s1, $0x2  }
0xc8: {  	s4 =	sand.u32 $0x4000, s31;
	s1 =	sadd.s32 s1, s30  }
0xc9: {  	s0 =	sor.u32 s4, s0;
	s1 =	sshll.u32 s1, $0x11  }
0xca: {  	s0 =	sor.u32 s1, s0  }
0xcb: {  	s0 =	sadd.s32 $0x8F2B, s0  }
0xcc: {  	[sflag:s0] =	ssyncadd.remote.s32 $0x1  }
0xcd: {  	_ =	sfence.sel $0xFFFF  }
0xce: {  	[dreg:$0x0] =	wrdreg $0xFFFFFFFF;
	(pc) =	sbr.abs _section_cstart, $3  }
0xcf: {  	[dreg:$0x1] =	wrdreg $0xFFFFFFFF  }
0xd0: {  	_ =	task.clear_ibuf [dreg:s22], $0x2FFFF;
	_ =	strace $0x9FFFFFFF  }
0xd1: {  	(tm) =	ssettm $0x7FFFFFFF  }
tec
execute0_lowered:
.L_overlay_start_1:
0x0: {  	(tag) =	ssettag $0x1  }
0x1: {  	s0 =	srdreg.scid;
	s2 =	rddreg [dreg:$0x0]  }
0x2: {  	s5 =	stileid.u32;
	s4 =	rddreg [dreg:$0x1];
	s12 =	simm.s32 $0x880  }
0x3: {  	s14 =	simm.s32 $0x1080;
	s16 =	simm.s32 $0x1880;
	s17 =	simm.s32 $0x2080  }
0x4: {  	s18 =	simm.s32 $0x2880;
	s19 =	simm.s32 $0x3080;
	s0 =	sand.u32 $0x1, s0  }
0x5: {  	s20 =	simm.s32 $0x3880;
	s1 =	sshll.u32 s5, $0xB;
	s3 =	sshll.u32 s0, $0xA  }
0x6: {  	s21 =	simm.s32 $0x4080;
	s1 =	sor.u32 s3, s1;
	s3 =	simm.s32 $0x0  }
0x7: {  	s22 =	simm.s32 $0x4880;
	s23 =	simm.s32 $0x5080;
	[smem:$0x7FF] =	sst s3  }
0x8: {  	s24 =	simm.s32 $0x5880;
	_ =	strace $0x8000004D;
	[dreg:$0x4] =	wrdreg s12  }
0x9: {  	s9 =	simm.s32 $0x2;
	s25 =	simm.s32 $0x6080;
	[dreg:$0x5] =	wrdreg s14  }
0xa: {  	s10 =	simm.s32 $0x80;
	s26 =	simm.s32 $0x6880;
	[dreg:$0x6] =	wrdreg s16  }
0xb: {  	s11 =	simm.s32 $0x7080;
	s28 =	simm.s32 $0xF080;
	[dreg:$0x7] =	wrdreg s17  }
0xc: {  	s29 =	simm.s32 $0xF880;
	s5 =	sshll.u32 s5, $0x12;
	[dreg:$0x8] =	wrdreg s18  }
0xd: {  	s30 =	simm.s32 $0x1;
	s8 =	sadd.s32 s5, s4;
	[dreg:$0x9] =	wrdreg s19  }
0xe: {  	s13 =	ssub.s32 $0x2, s0;
	s0 =	sshll.u32 s0, $0x11;
	[dreg:$0xa] =	wrdreg s20  }
0xf: {  	s31 =	simm.s32 $0x0;
	s0 =	sadd.s32 s0, s8;
	[dreg:$0xb] =	wrdreg s21  }
0x10: {  	s6 =	sadd.s32 $0x300, s2;
	s0 =	sadd.s32 $0x12200, s0;
	[dreg:$0xc] =	wrdreg s22  }
0x11: {  	s5 =	sadd.s32 $0x200, s2;
	s15 =	sshrl.u32 s13, $0x1;
	[dreg:$0x12] =	wrdreg s0  }
0x12: {  	s1 =	sshrl.u32 s1, $0x3;
	s7 =	ssub.s32 s13, s15;
	[dreg:$0xd] =	wrdreg s23  }
0x13: {  	s13 =	simm.s32 $0x8080;
	s15 =	simm.s32 $0x9080;
	[dreg:$0xe] =	wrdreg s24  }
0x14: {  	s1 =	sadd.s32 s1, s4;
	s4 =	sadd.s32 $0x100, s2;
	[dreg:$0xf] =	wrdreg s25  }
0x15: {  	s7 =	smax.u32 s7, $0x1;
	[dreg:$0x10] =	wrdreg s26;
	s12 =	simm.s32 $0x7880  }
0x16: {  	s14 =	simm.s32 $0x8880;
	s16 =	simm.s32 $0x9880;
	s17 =	simm.s32 $0xA080  }
0x17: {  	s18 =	simm.s32 $0xA880;
	s19 =	simm.s32 $0xB080;
	s20 =	simm.s32 $0xB880  }
0x18: {  	v2 =	vlaneseq.u32;
	s21 =	simm.s32 $0xC080;
	s22 =	simm.s32 $0xC880;
	s23 =	simm.s32 $0xD080  }
0x19: {  	vm0 =	vmmov $0xffff;
	v1 =	vshrl.u32 v2, $0x3;
	s24 =	simm.s32 $0xD880;
	s1 =	sadd.s32 $0x800, s1;
	[dreg:$0x11] =	wrdreg s7  }
0x1a: {  	v0 =	vand.u32 $0x7, v2;
	v2 =	vor.u32 $0x8, v2;
	v1 =	vmul.u32 $0x8, v1;
	s25 =	simm.s32 $0xE080;
	s26 =	simm.s32 $0xE880;
	[dreg:$0x3] =	wrdreg s1  }
.LBB2_1:
0x1b: {  	s8 =	rddreg [dreg:$0x12];
	s0 =	simm.s32 $0x0  }
.LBB2_2:
0x1c: {  	s7 =	rddreg [dreg:$0x3]  }
0x1d: {  	s7 =	sadd.s32 s0, s7  }
0x1e: {  	[tilespmem:s3], [sflag:$0x2] =	stream.linear.gather [hbm4b:s7+s3], $0x40, $0x38;
	[tilespmem:$0x10080] =	vst v63  }
0x1f: {  	_ =	swait.ge [sflag:s9], $0x40  }
0x20: {  	[sflag:s9] =	ssyncset.done $0x0  }
0x21: {  	[sflag:s9] =	ssyncadd.s32 $0xFFFFFFC0  }
0x22: {  	v3 =	vld [tilespmem:$0x0];
	_ =	sdelay $0x4  }
0x23: {  	v4 =	vshll.u32 v3, $0x3  }
0x24: {  	v3 =	vand.u32 $0x7, v3;
	v4 =	vand.u32 $0xFFFFFFC0, v4  }
0x25: {  	v3 =	vor.u32 v3, v4  }
0x26: {  	v4 =	vperm.xlane v3, v0;
	_ =	sdelay $0x1  }
0x27: {  	v4 =	vadd.s32 v1, v4;
	_ =	sdelay $0x4  }
0x28: {  	[tilespmem:s10], [sflag:$0x1] =	stream.indirect_vreg.gather [hbm4b:s2+s3], $0x80, v4, vm0, $0xb8;
	[tilespmem:$0x10080] =	vst v63  }
0x29: {  	s7 =	rddreg [dreg:$0x4];
	v3 =	vperm.xlane v3, v2  }
0x2a: {  	[tilespmem:s7], [sflag:$0x1] =	stream.indirect_vreg.gather [hbm4b:s4+s3], $0x80, v4, vm0, $0xb8;
	[tilespmem:$0x10080] =	vst v63  }
0x2b: {  	s1 =	rddreg [dreg:$0x5];
	v3 =	vadd.s32 v1, v3  }
0x2c: {  	[tilespmem:s1], [sflag:$0x1] =	stream.indirect_vreg.gather [hbm4b:s5+s3], $0x80, v4, vm0, $0xb8;
	[tilespmem:$0x10080] =	vst v63  }
0x2d: {  	s7 =	rddreg [dreg:$0x6]  }
0x2e: {  	[tilespmem:s7], [sflag:$0x1] =	stream.indirect_vreg.gather [hbm4b:s6+s3], $0x80, v4, vm0, $0xb8;
	[tilespmem:$0x10080] =	vst v63  }
0x2f: {  	s1 =	rddreg [dreg:$0x7]  }
0x30: {  	[tilespmem:s1], [sflag:$0x1] =	stream.indirect_vreg.gather [hbm4b:s2+s3], $0x80, v3, vm0, $0xb8;
	[tilespmem:$0x10080] =	vst v63  }
0x31: {  	s7 =	rddreg [dreg:$0x8]  }
0x32: {  	[tilespmem:s7], [sflag:$0x1] =	stream.indirect_vreg.gather [hbm4b:s4+s3], $0x80, v3, vm0, $0xb8;
	[tilespmem:$0x10080] =	vst v63  }
0x33: {  	s1 =	rddreg [dreg:$0x9]  }
0x34: {  	[tilespmem:s1], [sflag:$0x1] =	stream.indirect_vreg.gather [hbm4b:s5+s3], $0x80, v3, vm0, $0xb8;
	[tilespmem:$0x10080] =	vst v63  }
0x35: {  	s7 =	rddreg [dreg:$0xa]  }
0x36: {  	[tilespmem:s7], [sflag:$0x1] =	stream.indirect_vreg.gather [hbm4b:s6+s3], $0x80, v3, vm0, $0xb8;
	[tilespmem:$0x10080] =	vst v63  }
0x37: {  	v3 =	vld [tilespmem:$0x10];
	_ =	sdelay $0x4  }
0x38: {  	v61 =	vshll.u32 v3, $0x3  }
0x39: {  	v3 =	vand.u32 $0x7, v3;
	v4 =	vand.u32 $0xFFFFFFC0, v61  }
0x3a: {  	v3 =	vor.u32 v3, v4  }
0x3b: {  	v4 =	vperm.xlane v3, v0;
	_ =	sdelay $0x1  }
0x3c: {  	v4 =	vadd.s32 v1, v4;
	_ =	sdelay $0x3  }
0x3d: {  	s1 =	rddreg [dreg:$0xb]  }
0x3e: {  	[tilespmem:s1], [sflag:$0x1] =	stream.indirect_vreg.gather [hbm4b:s2+s3], $0x80, v4, vm0, $0xb8;
	[tilespmem:$0x10080] =	vst v63  }
0x3f: {  	s7 =	rddreg [dreg:$0xc];
	v3 =	vperm.xlane v3, v2  }
0x40: {  	[tilespmem:s7], [sflag:$0x1] =	stream.indirect_vreg.gather [hbm4b:s4+s3], $0x80, v4, vm0, $0xb8;
	[tilespmem:$0x10080] =	vst v63  }
0x41: {  	v3 =	vadd.s32 v1, v3;
	s1 =	rddreg [dreg:$0xd]  }
0x42: {  	[tilespmem:s1], [sflag:$0x1] =	stream.indirect_vreg.gather [hbm4b:s5+s3], $0x80, v4, vm0, $0xb8;
	[tilespmem:$0x10080] =	vst v63  }
0x43: {  	s7 =	rddreg [dreg:$0xe]  }
0x44: {  	[tilespmem:s7], [sflag:$0x1] =	stream.indirect_vreg.gather [hbm4b:s6+s3], $0x80, v4, vm0, $0xb8;
	[tilespmem:$0x10080] =	vst v63  }
0x45: {  	s1 =	rddreg [dreg:$0xf]  }
0x46: {  	[tilespmem:s1], [sflag:$0x1] =	stream.indirect_vreg.gather [hbm4b:s2+s3], $0x80, v3, vm0, $0xb8;
	[tilespmem:$0x10080] =	vst v63  }
0x47: {  	s7 =	rddreg [dreg:$0x10]  }
0x48: {  	[tilespmem:s7], [sflag:$0x1] =	stream.indirect_vreg.gather [hbm4b:s4+s3], $0x80, v3, vm0, $0xb8;
	[tilespmem:$0x10080] =	vst v63  }
0x49: {  	_ = 	snop  }
0x4a: {  	[tilespmem:s11], [sflag:$0x1] =	stream.indirect_vreg.gather [hbm4b:s5+s3], $0x80, v3, vm0, $0xb8;
	[tilespmem:$0x10080] =	vst v63  }
0x4b: {  	_ = 	snop  }
0x4c: {  	[tilespmem:s12], [sflag:$0x1] =	stream.indirect_vreg.gather [hbm4b:s6+s3], $0x80, v3, vm0, $0xb8;
	[tilespmem:$0x10080] =	vst v63  }
0x4d: {  	v3 =	vld [tilespmem:$0x20];
	_ =	sdelay $0x4  }
0x4e: {  	v62 =	vshll.u32 v3, $0x3  }
0x4f: {  	v3 =	vand.u32 $0x7, v3;
	v4 =	vand.u32 $0xFFFFFFC0, v62  }
0x50: {  	v3 =	vor.u32 v3, v4  }
0x51: {  	v4 =	vperm.xlane v3, v0;
	_ =	sdelay $0x1  }
0x52: {  	v4 =	vadd.s32 v1, v4;
	_ =	sdelay $0x4  }
0x53: {  	[tilespmem:s13], [sflag:$0x1] =	stream.indirect_vreg.gather [hbm4b:s2+s3], $0x80, v4, vm0, $0xb8;
	[tilespmem:$0x10080] =	vst v63  }
0x54: {  	v3 =	vperm.xlane v3, v2  }
0x55: {  	[tilespmem:s14], [sflag:$0x1] =	stream.indirect_vreg.gather [hbm4b:s4+s3], $0x80, v4, vm0, $0xb8;
	[tilespmem:$0x10080] =	vst v63  }
0x56: {  	v3 =	vadd.s32 v1, v3  }
0x57: {  	[tilespmem:s15], [sflag:$0x1] =	stream.indirect_vreg.gather [hbm4b:s5+s3], $0x80, v4, vm0, $0xb8;
	[tilespmem:$0x10080] =	vst v63  }
0x58: {  	_ = 	snop  }
0x59: {  	[tilespmem:s16], [sflag:$0x1] =	stream.indirect_vreg.gather [hbm4b:s6+s3], $0x80, v4, vm0, $0xb8;
	[tilespmem:$0x10080] =	vst v63  }
0x5a: {  	_ = 	snop  }
0x5b: {  	[tilespmem:s17], [sflag:$0x1] =	stream.indirect_vreg.gather [hbm4b:s2+s3], $0x80, v3, vm0, $0xb8;
	[tilespmem:$0x10080] =	vst v63  }
0x5c: {  	_ = 	snop  }
0x5d: {  	[tilespmem:s18], [sflag:$0x1] =	stream.indirect_vreg.gather [hbm4b:s4+s3], $0x80, v3, vm0, $0xb8;
	[tilespmem:$0x10080] =	vst v63  }
0x5e: {  	_ = 	snop  }
0x5f: {  	[tilespmem:s19], [sflag:$0x1] =	stream.indirect_vreg.gather [hbm4b:s5+s3], $0x80, v3, vm0, $0xb8;
	[tilespmem:$0x10080] =	vst v63  }
0x60: {  	_ = 	snop  }
0x61: {  	[tilespmem:s20], [sflag:$0x1] =	stream.indirect_vreg.gather [hbm4b:s6+s3], $0x80, v3, vm0, $0xb8;
	[tilespmem:$0x10080] =	vst v63  }
0x62: {  	v3 =	vld [tilespmem:$0x30];
	_ =	sdelay $0x4  }
0x63: {  	v63 =	vshll.u32 v3, $0x3  }
0x64: {  	v3 =	vand.u32 $0x7, v3;
	v4 =	vand.u32 $0xFFFFFFC0, v63  }
0x65: {  	v3 =	vor.u32 v3, v4  }
0x66: {  	v4 =	vperm.xlane v3, v0;
	_ =	sdelay $0x1  }
0x67: {  	v4 =	vadd.s32 v1, v4;
	_ =	sdelay $0x4  }
0x68: {  	[tilespmem:s21], [sflag:$0x1] =	stream.indirect_vreg.gather [hbm4b:s2+s3], $0x80, v4, vm0, $0xb8;
	[tilespmem:$0x10080] =	vst v63  }
0x69: {  	v3 =	vperm.xlane v3, v2  }
0x6a: {  	[tilespmem:s22], [sflag:$0x1] =	stream.indirect_vreg.gather [hbm4b:s4+s3], $0x80, v4, vm0, $0xb8;
	[tilespmem:$0x10080] =	vst v63  }
0x6b: {  	v3 =	vadd.s32 v1, v3  }
0x6c: {  	[tilespmem:s23], [sflag:$0x1] =	stream.indirect_vreg.gather [hbm4b:s5+s3], $0x80, v4, vm0, $0xb8;
	[tilespmem:$0x10080] =	vst v63  }
0x6d: {  	_ = 	snop  }
0x6e: {  	[tilespmem:s24], [sflag:$0x1] =	stream.indirect_vreg.gather [hbm4b:s6+s3], $0x80, v4, vm0, $0xb8;
	[tilespmem:$0x10080] =	vst v63  }
0x6f: {  	_ = 	snop  }
0x70: {  	[tilespmem:s25], [sflag:$0x1] =	stream.indirect_vreg.gather [hbm4b:s2+s3], $0x80, v3, vm0, $0xb8;
	[tilespmem:$0x10080] =	vst v63  }
0x71: {  	_ = 	snop  }
0x72: {  	[tilespmem:s26], [sflag:$0x1] =	stream.indirect_vreg.gather [hbm4b:s4+s3], $0x80, v3, vm0, $0xb8;
	[tilespmem:$0x10080] =	vst v63  }
0x73: {  	_ = 	snop  }
0x74: {  	[tilespmem:s28], [sflag:$0x1] =	stream.indirect_vreg.gather [hbm4b:s5+s3], $0x80, v3, vm0, $0xb8;
	[tilespmem:$0x10080] =	vst v63  }
0x75: {  	_ = 	snop  }
0x76: {  	[tilespmem:s29], [sflag:$0x1] =	stream.indirect_vreg.gather [hbm4b:s6+s3], $0x80, v3, vm0, $0xb8;
	[tilespmem:$0x10080] =	vst v63  }
0x77: {  	_ =	swait.ge [sflag:s30], $0x10000  }
0x78: {  	p0 =	sne.s32 s0, $0x78;
	[sflag:s30] =	ssyncset.done $0x0  }
.Ltmp0:
0x79: {  	[sflag:s30] =	ssyncadd.s32 $0xFFFF0000;
	(pc) =	sbr.rel @p0 .LBB2_2-.Ltmp0, $4  }
0x7a: {  	[hbm4b:s8+s3] =	stream.linear.scatter [tilespmem:s10], [sflag:$0x2], $0x10000, $0x38;
	[tilespmem:$0x10080] =	vst v63  }
0x7b: {  	_ =	swait.ge [sflag:s9], $0x10000  }
0x7c: {  	[sflag:s9] =	ssyncset.done $0x0  }
0x7d: {  	s0 =	sadd.s32 $0x8, s0;
	s8 =	sadd.s32 $0x2000, s8;
	[sflag:s9] =	ssyncadd.s32 $0xFFFF0000  }
0x7e: {  	s31 =	sadd.s32 $0x1, s31;
	s0 =	rddreg [dreg:$0x11]  }
0x7f: {  	p0 =	sne.s32 s31, s0  }
.Ltmp1:
0x80: {  	_ = 	snop;
	(pc) =	sbr.rel @p0 .LBB2_1-.Ltmp1, $1  }
0x81: {  	_ =	sdelay $0x3  }
0x82: {  	_ =	sfence.sel $0x180000  }
0x83: {  	[bflag:$0x0] =	sbarrier.arrive $0xFFFF  }
0x84: {  	_ =	strace $0x9000004D  }
0x85: {  	s0 =	stileid.u32;
	[bflag:$0x2] =	sbarrier.arrive $0xFFFF  }
0x86: {  	p0 =	sne.s32 s0, $0x0;
	s0 =	rddreg [dreg:$0x2]  }
0x87: {  	s0 =	sadd.s32 @!p0 $0x100000, s0  }
0x88: {  	[sflag:s0] =	ssyncadd.tile.s32 @!p0 $0x1;
	_ =	shalt  }
.Lfunc_end2:
_tile_overlayer_lowered:
.L_overlay_start_2:
0x89: {  	(tag) =	ssettag $0x2  }
0x8a: {  	s0 =	rddreg [dreg:$0x0];
	s2 =	stileid.u32  }
0x8b: {  	s1 =	rddreg [dreg:$0x1];
	p0 =	sne.s32 s2, $0x0  }
0x8c: {  	s3 =	rddreg [dreg:$0x2];
	[bflag:$0x3] =	sbarrier.arrive $0xFFFF;
	s2 =	simm.s32 @!p0 $0x1C02  }
0x8d: {  	[timem:s3], [sflag:s2] =	dma.local @!p0 [hbm:s0], s1  }
0x8e: {  	s0 =	simm.s32 @!p0 $0x2  }
0x8f: {  	_ =	swait.ge @!p0 [sflag:s0], s1  }
0x90: {  	s1 =	ssub.s32 @!p0 $0x0, s1;
	[sflag:s0] =	ssyncset.done @!p0 $0x0  }
0x91: {  	[sflag:s0] =	ssyncadd.s32 @!p0 s1  }
0x92: {  	[bflag:$0x3] =	sbarrier.arrive $0xFFFF  }
0x93: {  	_ =	shalt  }

</sc_bundles>
